<compile_context>
chip_gen: v7x
topology: tpu7x:2x2x1
jax: 0.10.2.dev20260603
libtpu: 0.0.44.dev20260713+nightly
codegen_flags: <defaults>
</compile_context>

<pallas_src>
import jax
import jax.numpy as jnp
from jax import lax
from jax.experimental import pallas as pl
from jax.experimental.pallas import tpu as pltpu
from jax.experimental.pallas import tpu_sc as plsc

B = 16384
F = 128
P = 26
NM = 25
OUT_W = F + 2

NC = 2
NS = 16
NW = NC * NS
COLS = B // NW


def _sc_body(ft_hbm, out_hbm, ft_v, sem_in, sem_out):
    wid = lax.axis_index("s") * NC + lax.axis_index("c")
    base = wid * COLS

    pltpu.async_copy(ft_hbm.at[:, :, pl.ds(base, COLS)], ft_v, sem_in).wait()

    copies = [
        pltpu.async_copy(
            ft_v,
            out_hbm.at[pl.ds(i, 1), pl.ds(0, F), pl.ds(base, COLS)],
            sem_out,
        )
        for i in range(NM)
    ]
    for d in copies:
        d.wait()


def _tc_pairs_body(_, pt_ref, out_ref, pair_v, sem):
    for i in range(NM):
        pair_v[i, 0, :] = pt_ref[0, i, :]
        pair_v[i, 1, :] = pt_ref[0, i + 1, :]
    pltpu.make_async_copy(pair_v, out_ref.at[:, pl.ds(F, 2), :], sem).start()
    pltpu.make_async_copy(pair_v, out_ref.at[:, pl.ds(F, 2), :], sem).wait()


@jax.jit
def kernel(features, parameters):
    ft = features.T.reshape(1, F, B)
    pt = parameters.T.reshape(1, P, B)
    mesh = plsc.VectorSubcoreMesh(
        core_axis_name="c", subcore_axis_name="s", num_cores=NC, num_subcores=NS
    )
    sc_run = pl.kernel(
        _sc_body,
        out_type=jax.ShapeDtypeStruct((NM, OUT_W, B), jnp.float32),
        mesh=mesh,
        scratch_types=[
            pltpu.VMEM((1, F, COLS), jnp.float32),
            pltpu.SemaphoreType.DMA,
            pltpu.SemaphoreType.DMA,
        ],
    )
    feat_out = sc_run(ft)

    out = pl.pallas_call(
        _tc_pairs_body,
        in_specs=[
            pl.BlockSpec(memory_space=pl.ANY),
            pl.BlockSpec((1, P, B), lambda: (0, 0, 0)),
        ],
        out_specs=pl.BlockSpec(memory_space=pl.ANY),
        out_shape=jax.ShapeDtypeStruct((NM, OUT_W, B), jnp.float32),
        scratch_shapes=[
            pltpu.VMEM((NM, 2, B), jnp.float32),
            pltpu.SemaphoreType.DMA,
        ],
        input_output_aliases={0: 0},
    )(feat_out, pt)
    return out.transpose(2, 0, 1)

# --- scband reference (transcript-rebuilt; emitter-appended) ---
"""Pipeline reference for scband-combinator-25958782337413 (READ-ONLY COPY).

The authoritative reference and input builder live on the scoring server;
editing this copy changes nothing except your own understanding.
"""

import jax, jax.numpy as jnp
import numpy as np

MARGINAL_INDICES = [(i, i + 1) for i in range(25)]
N_MARGINALS = len(MARGINAL_INDICES)


def setup_inputs(seed: int = 0) -> dict:
    key = jax.random.key(seed)
    k1, k2 = jax.random.split(key)
    features = jax.random.normal(k1, (16384, 128), dtype=jnp.float32)
    parameters = jax.random.normal(k2, (16384, 26), dtype=jnp.float32)
    return {"features": features, "parameters": parameters}


def reference(features, parameters):
    # get_marginal_block: gather each marginal tuple from the last axis and stack
    mb = jnp.stack([parameters[..., jnp.array(mi)] for mi in MARGINAL_INDICES], axis=1)  # [B, n_marginals, 2]
    # expand features across the marginal dimension
    fb = jnp.broadcast_to(features[:, None, :], (features.shape[0], N_MARGINALS, features.shape[1]))  # [B, n_marginals, F]
    return jnp.concatenate([fb, mb], axis=2)  # [B, n_marginals, F + 2]

if __name__ == "__main__":
    import jax
    _d = setup_inputs()
    print(jax.jit(kernel)(*tuple(_d.values())))

</pallas_src>

<mosaic_0001>
#map = affine_map<(d0, d1) -> (0, 0, 0)>
module attributes {stable_mosaic.version = 14 : i64} {
  func.func @_sc_body(%arg0: i32, %arg1: i32, %arg2: memref<1x128x16384xf32, #tpu.memory_space<hbm>>, %arg3: memref<25x130x16384xf32, #tpu.memory_space<hbm>>, %arg4: memref<1x128x512xf32, #tpu.memory_space<vmem>>, %arg5: memref<!tpu.dma_semaphore, #tpu.memory_space<semaphore_mem>>, %arg6: memref<!tpu.dma_semaphore, #tpu.memory_space<semaphore_mem>>) attributes {dimension_semantics = [#tpu.dimension_semantics<core_parallel>, #tpu.dimension_semantics<subcore_parallel>], iteration_bounds = array<i64: 2, 16>, scalar_prefetch = 0 : i64, scratch_operands = 3 : i64, tpu.core_type = #tpu.core_type<sc_vector_subcore>, window_params = [{transform_indices = #map}, {transform_indices = #map}]} {
    %mul3A = arith.constant 2 : i32
    %mul3A_0 = arith.muli %arg1, %mul3A : i32
    %add3A = arith.addi %mul3A_0, %arg0 : i32
    %mul3A_1 = arith.constant 512 : i32
    %mul3A_2 = arith.muli %add3A, %mul3A_1 : i32
    %dma_start3A = arith.constant 0 : i32
    %dma_start3A_3 = arith.constant 0 : i32
    %dma_start3A_4 = tpu.memref_slice %arg2[%dma_start3A, %dma_start3A_3, %mul3A_2] : memref<1x128x16384xf32, #tpu.memory_space<hbm>> -> memref<1x128x512xf32, #tpu.memory_space<hbm>>
    %dma_start3A_5 = arith.constant 0 : i32
    %dma_start3A_6 = arith.constant 0 : i32
    %dma_start3A_7 = tpu.memref_slice %arg2[%dma_start3A_5, %dma_start3A_6, %mul3A_2] : memref<1x128x16384xf32, #tpu.memory_space<hbm>> -> memref<1x128x512xf32, #tpu.memory_space<hbm>>
    tpu.enqueue_dma source(%dma_start3A_7 : memref<1x128x512xf32, #tpu.memory_space<hbm>>) target(%arg4 : memref<1x128x512xf32, #tpu.memory_space<vmem>>) target_semaphore(%arg5 : memref<!tpu.dma_semaphore, #tpu.memory_space<semaphore_mem>>)
    %dma_wait3A = arith.constant 0 : i32
    %dma_wait3A_8 = arith.constant 0 : i32
    %dma_wait3A_9 = tpu.memref_slice %arg2[%dma_wait3A, %dma_wait3A_8, %mul3A_2] : memref<1x128x16384xf32, #tpu.memory_space<hbm>> -> memref<1x128x512xf32, #tpu.memory_space<hbm>>
    %dma_wait3A_10 = arith.constant 0 : i32
    %dma_wait3A_11 = arith.constant 0 : i32
    %dma_wait3A_12 = tpu.memref_slice %arg2[%dma_wait3A_10, %dma_wait3A_11, %mul3A_2] : memref<1x128x16384xf32, #tpu.memory_space<hbm>> -> memref<1x128x512xf32, #tpu.memory_space<hbm>>
    tpu.wait_dma2 semaphore(%arg5 : memref<!tpu.dma_semaphore, #tpu.memory_space<semaphore_mem>>) src(%dma_wait3A_12 : memref<1x128x512xf32, #tpu.memory_space<hbm>>) dst(%arg4 : memref<1x128x512xf32, #tpu.memory_space<vmem>>)
    %dma_start3A_13 = arith.constant 0 : i32
    %dma_start3A_14 = arith.constant 0 : i32
    %dma_start3A_15 = tpu.memref_slice %arg3[%dma_start3A_13, %dma_start3A_14, %mul3A_2] : memref<25x130x16384xf32, #tpu.memory_space<hbm>> -> memref<1x128x512xf32, #tpu.memory_space<hbm>>
    %dma_start3A_16 = arith.constant 0 : i32
    %dma_start3A_17 = arith.constant 0 : i32
    %dma_start3A_18 = tpu.memref_slice %arg3[%dma_start3A_16, %dma_start3A_17, %mul3A_2] : memref<25x130x16384xf32, #tpu.memory_space<hbm>> -> memref<1x128x512xf32, #tpu.memory_space<hbm>>
    tpu.enqueue_dma source(%arg4 : memref<1x128x512xf32, #tpu.memory_space<vmem>>) target(%dma_start3A_18 : memref<1x128x512xf32, #tpu.memory_space<hbm>>) target_semaphore(%arg6 : memref<!tpu.dma_semaphore, #tpu.memory_space<semaphore_mem>>)
    %dma_start3A_19 = arith.constant 1 : i32
    %dma_start3A_20 = arith.constant 0 : i32
    %dma_start3A_21 = tpu.memref_slice %arg3[%dma_start3A_19, %dma_start3A_20, %mul3A_2] : memref<25x130x16384xf32, #tpu.memory_space<hbm>> -> memref<1x128x512xf32, #tpu.memory_space<hbm>>
    %dma_start3A_22 = arith.constant 1 : i32
    %dma_start3A_23 = arith.constant 0 : i32
    %dma_start3A_24 = tpu.memref_slice %arg3[%dma_start3A_22, %dma_start3A_23, %mul3A_2] : memref<25x130x16384xf32, #tpu.memory_space<hbm>> -> memref<1x128x512xf32, #tpu.memory_space<hbm>>
    tpu.enqueue_dma source(%arg4 : memref<1x128x512xf32, #tpu.memory_space<vmem>>) target(%dma_start3A_24 : memref<1x128x512xf32, #tpu.memory_space<hbm>>) target_semaphore(%arg6 : memref<!tpu.dma_semaphore, #tpu.memory_space<semaphore_mem>>)
    %dma_start3A_25 = arith.constant 2 : i32
    %dma_start3A_26 = arith.constant 0 : i32
    %dma_start3A_27 = tpu.memref_slice %arg3[%dma_start3A_25, %dma_start3A_26, %mul3A_2] : memref<25x130x16384xf32, #tpu.memory_space<hbm>> -> memref<1x128x512xf32, #tpu.memory_space<hbm>>
    %dma_start3A_28 = arith.constant 2 : i32
    %dma_start3A_29 = arith.constant 0 : i32
    %dma_start3A_30 = tpu.memref_slice %arg3[%dma_start3A_28, %dma_start3A_29, %mul3A_2] : memref<25x130x16384xf32, #tpu.memory_space<hbm>> -> memref<1x128x512xf32, #tpu.memory_space<hbm>>
    tpu.enqueue_dma source(%arg4 : memref<1x128x512xf32, #tpu.memory_space<vmem>>) target(%dma_start3A_30 : memref<1x128x512xf32, #tpu.memory_space<hbm>>) target_semaphore(%arg6 : memref<!tpu.dma_semaphore, #tpu.memory_space<semaphore_mem>>)
    %dma_start3A_31 = arith.constant 3 : i32
    %dma_start3A_32 = arith.constant 0 : i32
    %dma_start3A_33 = tpu.memref_slice %arg3[%dma_start3A_31, %dma_start3A_32, %mul3A_2] : memref<25x130x16384xf32, #tpu.memory_space<hbm>> -> memref<1x128x512xf32, #tpu.memory_space<hbm>>
    %dma_start3A_34 = arith.constant 3 : i32
    %dma_start3A_35 = arith.constant 0 : i32
    %dma_start3A_36 = tpu.memref_slice %arg3[%dma_start3A_34, %dma_start3A_35, %mul3A_2] : memref<25x130x16384xf32, #tpu.memory_space<hbm>> -> memref<1x128x512xf32, #tpu.memory_space<hbm>>
    tpu.enqueue_dma source(%arg4 : memref<1x128x512xf32, #tpu.memory_space<vmem>>) target(%dma_start3A_36 : memref<1x128x512xf32, #tpu.memory_space<hbm>>) target_semaphore(%arg6 : memref<!tpu.dma_semaphore, #tpu.memory_space<semaphore_mem>>)
    %dma_start3A_37 = arith.constant 4 : i32
    %dma_start3A_38 = arith.constant 0 : i32
    %dma_start3A_39 = tpu.memref_slice %arg3[%dma_start3A_37, %dma_start3A_38, %mul3A_2] : memref<25x130x16384xf32, #tpu.memory_space<hbm>> -> memref<1x128x512xf32, #tpu.memory_space<hbm>>
    %dma_start3A_40 = arith.constant 4 : i32
    %dma_start3A_41 = arith.constant 0 : i32
    %dma_start3A_42 = tpu.memref_slice %arg3[%dma_start3A_40, %dma_start3A_41, %mul3A_2] : memref<25x130x16384xf32, #tpu.memory_space<hbm>> -> memref<1x128x512xf32, #tpu.memory_space<hbm>>
    tpu.enqueue_dma source(%arg4 : memref<1x128x512xf32, #tpu.memory_space<vmem>>) target(%dma_start3A_42 : memref<1x128x512xf32, #tpu.memory_space<hbm>>) target_semaphore(%arg6 : memref<!tpu.dma_semaphore, #tpu.memory_space<semaphore_mem>>)
    %dma_start3A_43 = arith.constant 5 : i32
    %dma_start3A_44 = arith.constant 0 : i32
    %dma_start3A_45 = tpu.memref_slice %arg3[%dma_start3A_43, %dma_start3A_44, %mul3A_2] : memref<25x130x16384xf32, #tpu.memory_space<hbm>> -> memref<1x128x512xf32, #tpu.memory_space<hbm>>
    %dma_start3A_46 = arith.constant 5 : i32
    %dma_start3A_47 = arith.constant 0 : i32
    %dma_start3A_48 = tpu.memref_slice %arg3[%dma_start3A_46, %dma_start3A_47, %mul3A_2] : memref<25x130x16384xf32, #tpu.memory_space<hbm>> -> memref<1x128x512xf32, #tpu.memory_space<hbm>>
    tpu.enqueue_dma source(%arg4 : memref<1x128x512xf32, #tpu.memory_space<vmem>>) target(%dma_start3A_48 : memref<1x128x512xf32, #tpu.memory_space<hbm>>) target_semaphore(%arg6 : memref<!tpu.dma_semaphore, #tpu.memory_space<semaphore_mem>>)
    %dma_start3A_49 = arith.constant 6 : i32
    %dma_start3A_50 = arith.constant 0 : i32
    %dma_start3A_51 = tpu.memref_slice %arg3[%dma_start3A_49, %dma_start3A_50, %mul3A_2] : memref<25x130x16384xf32, #tpu.memory_space<hbm>> -> memref<1x128x512xf32, #tpu.memory_space<hbm>>
    %dma_start3A_52 = arith.constant 6 : i32
    %dma_start3A_53 = arith.constant 0 : i32
    %dma_start3A_54 = tpu.memref_slice %arg3[%dma_start3A_52, %dma_start3A_53, %mul3A_2] : memref<25x130x16384xf32, #tpu.memory_space<hbm>> -> memref<1x128x512xf32, #tpu.memory_space<hbm>>
    tpu.enqueue_dma source(%arg4 : memref<1x128x512xf32, #tpu.memory_space<vmem>>) target(%dma_start3A_54 : memref<1x128x512xf32, #tpu.memory_space<hbm>>) target_semaphore(%arg6 : memref<!tpu.dma_semaphore, #tpu.memory_space<semaphore_mem>>)
    %dma_start3A_55 = arith.constant 7 : i32
    %dma_start3A_56 = arith.constant 0 : i32
    %dma_start3A_57 = tpu.memref_slice %arg3[%dma_start3A_55, %dma_start3A_56, %mul3A_2] : memref<25x130x16384xf32, #tpu.memory_space<hbm>> -> memref<1x128x512xf32, #tpu.memory_space<hbm>>
    %dma_start3A_58 = arith.constant 7 : i32
    %dma_start3A_59 = arith.constant 0 : i32
    %dma_start3A_60 = tpu.memref_slice %arg3[%dma_start3A_58, %dma_start3A_59, %mul3A_2] : memref<25x130x16384xf32, #tpu.memory_space<hbm>> -> memref<1x128x512xf32, #tpu.memory_space<hbm>>
    tpu.enqueue_dma source(%arg4 : memref<1x128x512xf32, #tpu.memory_space<vmem>>) target(%dma_start3A_60 : memref<1x128x512xf32, #tpu.memory_space<hbm>>) target_semaphore(%arg6 : memref<!tpu.dma_semaphore, #tpu.memory_space<semaphore_mem>>)
    %dma_start3A_61 = arith.constant 8 : i32
    %dma_start3A_62 = arith.constant 0 : i32
    %dma_start3A_63 = tpu.memref_slice %arg3[%dma_start3A_61, %dma_start3A_62, %mul3A_2] : memref<25x130x16384xf32, #tpu.memory_space<hbm>> -> memref<1x128x512xf32, #tpu.memory_space<hbm>>
    %dma_start3A_64 = arith.constant 8 : i32
    %dma_start3A_65 = arith.constant 0 : i32
    %dma_start3A_66 = tpu.memref_slice %arg3[%dma_start3A_64, %dma_start3A_65, %mul3A_2] : memref<25x130x16384xf32, #tpu.memory_space<hbm>> -> memref<1x128x512xf32, #tpu.memory_space<hbm>>
    tpu.enqueue_dma source(%arg4 : memref<1x128x512xf32, #tpu.memory_space<vmem>>) target(%dma_start3A_66 : memref<1x128x512xf32, #tpu.memory_space<hbm>>) target_semaphore(%arg6 : memref<!tpu.dma_semaphore, #tpu.memory_space<semaphore_mem>>)
    %dma_start3A_67 = arith.constant 9 : i32
    %dma_start3A_68 = arith.constant 0 : i32
    %dma_start3A_69 = tpu.memref_slice %arg3[%dma_start3A_67, %dma_start3A_68, %mul3A_2] : memref<25x130x16384xf32, #tpu.memory_space<hbm>> -> memref<1x128x512xf32, #tpu.memory_space<hbm>>
    %dma_start3A_70 = arith.constant 9 : i32
    %dma_start3A_71 = arith.constant 0 : i32
    %dma_start3A_72 = tpu.memref_slice %arg3[%dma_start3A_70, %dma_start3A_71, %mul3A_2] : memref<25x130x16384xf32, #tpu.memory_space<hbm>> -> memref<1x128x512xf32, #tpu.memory_space<hbm>>
    tpu.enqueue_dma source(%arg4 : memref<1x128x512xf32, #tpu.memory_space<vmem>>) target(%dma_start3A_72 : memref<1x128x512xf32, #tpu.memory_space<hbm>>) target_semaphore(%arg6 : memref<!tpu.dma_semaphore, #tpu.memory_space<semaphore_mem>>)
    %dma_start3A_73 = arith.constant 10 : i32
    %dma_start3A_74 = arith.constant 0 : i32
    %dma_start3A_75 = tpu.memref_slice %arg3[%dma_start3A_73, %dma_start3A_74, %mul3A_2] : memref<25x130x16384xf32, #tpu.memory_space<hbm>> -> memref<1x128x512xf32, #tpu.memory_space<hbm>>
    %dma_start3A_76 = arith.constant 10 : i32
    %dma_start3A_77 = arith.constant 0 : i32
    %dma_start3A_78 = tpu.memref_slice %arg3[%dma_start3A_76, %dma_start3A_77, %mul3A_2] : memref<25x130x16384xf32, #tpu.memory_space<hbm>> -> memref<1x128x512xf32, #tpu.memory_space<hbm>>
    tpu.enqueue_dma source(%arg4 : memref<1x128x512xf32, #tpu.memory_space<vmem>>) target(%dma_start3A_78 : memref<1x128x512xf32, #tpu.memory_space<hbm>>) target_semaphore(%arg6 : memref<!tpu.dma_semaphore, #tpu.memory_space<semaphore_mem>>)
    %dma_start3A_79 = arith.constant 11 : i32
    %dma_start3A_80 = arith.constant 0 : i32
    %dma_start3A_81 = tpu.memref_slice %arg3[%dma_start3A_79, %dma_start3A_80, %mul3A_2] : memref<25x130x16384xf32, #tpu.memory_space<hbm>> -> memref<1x128x512xf32, #tpu.memory_space<hbm>>
    %dma_start3A_82 = arith.constant 11 : i32
    %dma_start3A_83 = arith.constant 0 : i32
    %dma_start3A_84 = tpu.memref_slice %arg3[%dma_start3A_82, %dma_start3A_83, %mul3A_2] : memref<25x130x16384xf32, #tpu.memory_space<hbm>> -> memref<1x128x512xf32, #tpu.memory_space<hbm>>
    tpu.enqueue_dma source(%arg4 : memref<1x128x512xf32, #tpu.memory_space<vmem>>) target(%dma_start3A_84 : memref<1x128x512xf32, #tpu.memory_space<hbm>>) target_semaphore(%arg6 : memref<!tpu.dma_semaphore, #tpu.memory_space<semaphore_mem>>)
    %dma_start3A_85 = arith.constant 12 : i32
    %dma_start3A_86 = arith.constant 0 : i32
    %dma_start3A_87 = tpu.memref_slice %arg3[%dma_start3A_85, %dma_start3A_86, %mul3A_2] : memref<25x130x16384xf32, #tpu.memory_space<hbm>> -> memref<1x128x512xf32, #tpu.memory_space<hbm>>
    %dma_start3A_88 = arith.constant 12 : i32
    %dma_start3A_89 = arith.constant 0 : i32
    %dma_start3A_90 = tpu.memref_slice %arg3[%dma_start3A_88, %dma_start3A_89, %mul3A_2] : memref<25x130x16384xf32, #tpu.memory_space<hbm>> -> memref<1x128x512xf32, #tpu.memory_space<hbm>>
    tpu.enqueue_dma source(%arg4 : memref<1x128x512xf32, #tpu.memory_space<vmem>>) target(%dma_start3A_90 : memref<1x128x512xf32, #tpu.memory_space<hbm>>) target_semaphore(%arg6 : memref<!tpu.dma_semaphore, #tpu.memory_space<semaphore_mem>>)
    %dma_start3A_91 = arith.constant 13 : i32
    %dma_start3A_92 = arith.constant 0 : i32
    %dma_start3A_93 = tpu.memref_slice %arg3[%dma_start3A_91, %dma_start3A_92, %mul3A_2] : memref<25x130x16384xf32, #tpu.memory_space<hbm>> -> memref<1x128x512xf32, #tpu.memory_space<hbm>>
    %dma_start3A_94 = arith.constant 13 : i32
    %dma_start3A_95 = arith.constant 0 : i32
    %dma_start3A_96 = tpu.memref_slice %arg3[%dma_start3A_94, %dma_start3A_95, %mul3A_2] : memref<25x130x16384xf32, #tpu.memory_space<hbm>> -> memref<1x128x512xf32, #tpu.memory_space<hbm>>
    tpu.enqueue_dma source(%arg4 : memref<1x128x512xf32, #tpu.memory_space<vmem>>) target(%dma_start3A_96 : memref<1x128x512xf32, #tpu.memory_space<hbm>>) target_semaphore(%arg6 : memref<!tpu.dma_semaphore, #tpu.memory_space<semaphore_mem>>)
    %dma_start3A_97 = arith.constant 14 : i32
    %dma_start3A_98 = arith.constant 0 : i32
    %dma_start3A_99 = tpu.memref_slice %arg3[%dma_start3A_97, %dma_start3A_98, %mul3A_2] : memref<25x130x16384xf32, #tpu.memory_space<hbm>> -> memref<1x128x512xf32, #tpu.memory_space<hbm>>
    %dma_start3A_100 = arith.constant 14 : i32
    %dma_start3A_101 = arith.constant 0 : i32
    %dma_start3A_102 = tpu.memref_slice %arg3[%dma_start3A_100, %dma_start3A_101, %mul3A_2] : memref<25x130x16384xf32, #tpu.memory_space<hbm>> -> memref<1x128x512xf32, #tpu.memory_space<hbm>>
    tpu.enqueue_dma source(%arg4 : memref<1x128x512xf32, #tpu.memory_space<vmem>>) target(%dma_start3A_102 : memref<1x128x512xf32, #tpu.memory_space<hbm>>) target_semaphore(%arg6 : memref<!tpu.dma_semaphore, #tpu.memory_space<semaphore_mem>>)
    %dma_start3A_103 = arith.constant 15 : i32
    %dma_start3A_104 = arith.constant 0 : i32
    %dma_start3A_105 = tpu.memref_slice %arg3[%dma_start3A_103, %dma_start3A_104, %mul3A_2] : memref<25x130x16384xf32, #tpu.memory_space<hbm>> -> memref<1x128x512xf32, #tpu.memory_space<hbm>>
    %dma_start3A_106 = arith.constant 15 : i32
    %dma_start3A_107 = arith.constant 0 : i32
    %dma_start3A_108 = tpu.memref_slice %arg3[%dma_start3A_106, %dma_start3A_107, %mul3A_2] : memref<25x130x16384xf32, #tpu.memory_space<hbm>> -> memref<1x128x512xf32, #tpu.memory_space<hbm>>
    tpu.enqueue_dma source(%arg4 : memref<1x128x512xf32, #tpu.memory_space<vmem>>) target(%dma_start3A_108 : memref<1x128x512xf32, #tpu.memory_space<hbm>>) target_semaphore(%arg6 : memref<!tpu.dma_semaphore, #tpu.memory_space<semaphore_mem>>)
    %dma_start3A_109 = arith.constant 16 : i32
    %dma_start3A_110 = arith.constant 0 : i32
    %dma_start3A_111 = tpu.memref_slice %arg3[%dma_start3A_109, %dma_start3A_110, %mul3A_2] : memref<25x130x16384xf32, #tpu.memory_space<hbm>> -> memref<1x128x512xf32, #tpu.memory_space<hbm>>
    %dma_start3A_112 = arith.constant 16 : i32
    %dma_start3A_113 = arith.constant 0 : i32
    %dma_start3A_114 = tpu.memref_slice %arg3[%dma_start3A_112, %dma_start3A_113, %mul3A_2] : memref<25x130x16384xf32, #tpu.memory_space<hbm>> -> memref<1x128x512xf32, #tpu.memory_space<hbm>>
    tpu.enqueue_dma source(%arg4 : memref<1x128x512xf32, #tpu.memory_space<vmem>>) target(%dma_start3A_114 : memref<1x128x512xf32, #tpu.memory_space<hbm>>) target_semaphore(%arg6 : memref<!tpu.dma_semaphore, #tpu.memory_space<semaphore_mem>>)
    %dma_start3A_115 = arith.constant 17 : i32
    %dma_start3A_116 = arith.constant 0 : i32
    %dma_start3A_117 = tpu.memref_slice %arg3[%dma_start3A_115, %dma_start3A_116, %mul3A_2] : memref<25x130x16384xf32, #tpu.memory_space<hbm>> -> memref<1x128x512xf32, #tpu.memory_space<hbm>>
    %dma_start3A_118 = arith.constant 17 : i32
    %dma_start3A_119 = arith.constant 0 : i32
    %dma_start3A_120 = tpu.memref_slice %arg3[%dma_start3A_118, %dma_start3A_119, %mul3A_2] : memref<25x130x16384xf32, #tpu.memory_space<hbm>> -> memref<1x128x512xf32, #tpu.memory_space<hbm>>
    tpu.enqueue_dma source(%arg4 : memref<1x128x512xf32, #tpu.memory_space<vmem>>) target(%dma_start3A_120 : memref<1x128x512xf32, #tpu.memory_space<hbm>>) target_semaphore(%arg6 : memref<!tpu.dma_semaphore, #tpu.memory_space<semaphore_mem>>)
    %dma_start3A_121 = arith.constant 18 : i32
    %dma_start3A_122 = arith.constant 0 : i32
    %dma_start3A_123 = tpu.memref_slice %arg3[%dma_start3A_121, %dma_start3A_122, %mul3A_2] : memref<25x130x16384xf32, #tpu.memory_space<hbm>> -> memref<1x128x512xf32, #tpu.memory_space<hbm>>
    %dma_start3A_124 = arith.constant 18 : i32
    %dma_start3A_125 = arith.constant 0 : i32
    %dma_start3A_126 = tpu.memref_slice %arg3[%dma_start3A_124, %dma_start3A_125, %mul3A_2] : memref<25x130x16384xf32, #tpu.memory_space<hbm>> -> memref<1x128x512xf32, #tpu.memory_space<hbm>>
    tpu.enqueue_dma source(%arg4 : memref<1x128x512xf32, #tpu.memory_space<vmem>>) target(%dma_start3A_126 : memref<1x128x512xf32, #tpu.memory_space<hbm>>) target_semaphore(%arg6 : memref<!tpu.dma_semaphore, #tpu.memory_space<semaphore_mem>>)
    %dma_start3A_127 = arith.constant 19 : i32
    %dma_start3A_128 = arith.constant 0 : i32
    %dma_start3A_129 = tpu.memref_slice %arg3[%dma_start3A_127, %dma_start3A_128, %mul3A_2] : memref<25x130x16384xf32, #tpu.memory_space<hbm>> -> memref<1x128x512xf32, #tpu.memory_space<hbm>>
    %dma_start3A_130 = arith.constant 19 : i32
    %dma_start3A_131 = arith.constant 0 : i32
    %dma_start3A_132 = tpu.memref_slice %arg3[%dma_start3A_130, %dma_start3A_131, %mul3A_2] : memref<25x130x16384xf32, #tpu.memory_space<hbm>> -> memref<1x128x512xf32, #tpu.memory_space<hbm>>
    tpu.enqueue_dma source(%arg4 : memref<1x128x512xf32, #tpu.memory_space<vmem>>) target(%dma_start3A_132 : memref<1x128x512xf32, #tpu.memory_space<hbm>>) target_semaphore(%arg6 : memref<!tpu.dma_semaphore, #tpu.memory_space<semaphore_mem>>)
    %dma_start3A_133 = arith.constant 20 : i32
    %dma_start3A_134 = arith.constant 0 : i32
    %dma_start3A_135 = tpu.memref_slice %arg3[%dma_start3A_133, %dma_start3A_134, %mul3A_2] : memref<25x130x16384xf32, #tpu.memory_space<hbm>> -> memref<1x128x512xf32, #tpu.memory_space<hbm>>
    %dma_start3A_136 = arith.constant 20 : i32
    %dma_start3A_137 = arith.constant 0 : i32
    %dma_start3A_138 = tpu.memref_slice %arg3[%dma_start3A_136, %dma_start3A_137, %mul3A_2] : memref<25x130x16384xf32, #tpu.memory_space<hbm>> -> memref<1x128x512xf32, #tpu.memory_space<hbm>>
    tpu.enqueue_dma source(%arg4 : memref<1x128x512xf32, #tpu.memory_space<vmem>>) target(%dma_start3A_138 : memref<1x128x512xf32, #tpu.memory_space<hbm>>) target_semaphore(%arg6 : memref<!tpu.dma_semaphore, #tpu.memory_space<semaphore_mem>>)
    %dma_start3A_139 = arith.constant 21 : i32
    %dma_start3A_140 = arith.constant 0 : i32
    %dma_start3A_141 = tpu.memref_slice %arg3[%dma_start3A_139, %dma_start3A_140, %mul3A_2] : memref<25x130x16384xf32, #tpu.memory_space<hbm>> -> memref<1x128x512xf32, #tpu.memory_space<hbm>>
    %dma_start3A_142 = arith.constant 21 : i32
    %dma_start3A_143 = arith.constant 0 : i32
    %dma_start3A_144 = tpu.memref_slice %arg3[%dma_start3A_142, %dma_start3A_143, %mul3A_2] : memref<25x130x16384xf32, #tpu.memory_space<hbm>> -> memref<1x128x512xf32, #tpu.memory_space<hbm>>
    tpu.enqueue_dma source(%arg4 : memref<1x128x512xf32, #tpu.memory_space<vmem>>) target(%dma_start3A_144 : memref<1x128x512xf32, #tpu.memory_space<hbm>>) target_semaphore(%arg6 : memref<!tpu.dma_semaphore, #tpu.memory_space<semaphore_mem>>)
    %dma_start3A_145 = arith.constant 22 : i32
    %dma_start3A_146 = arith.constant 0 : i32
    %dma_start3A_147 = tpu.memref_slice %arg3[%dma_start3A_145, %dma_start3A_146, %mul3A_2] : memref<25x130x16384xf32, #tpu.memory_space<hbm>> -> memref<1x128x512xf32, #tpu.memory_space<hbm>>
    %dma_start3A_148 = arith.constant 22 : i32
    %dma_start3A_149 = arith.constant 0 : i32
    %dma_start3A_150 = tpu.memref_slice %arg3[%dma_start3A_148, %dma_start3A_149, %mul3A_2] : memref<25x130x16384xf32, #tpu.memory_space<hbm>> -> memref<1x128x512xf32, #tpu.memory_space<hbm>>
    tpu.enqueue_dma source(%arg4 : memref<1x128x512xf32, #tpu.memory_space<vmem>>) target(%dma_start3A_150 : memref<1x128x512xf32, #tpu.memory_space<hbm>>) target_semaphore(%arg6 : memref<!tpu.dma_semaphore, #tpu.memory_space<semaphore_mem>>)
    %dma_start3A_151 = arith.constant 23 : i32
    %dma_start3A_152 = arith.constant 0 : i32
    %dma_start3A_153 = tpu.memref_slice %arg3[%dma_start3A_151, %dma_start3A_152, %mul3A_2] : memref<25x130x16384xf32, #tpu.memory_space<hbm>> -> memref<1x128x512xf32, #tpu.memory_space<hbm>>
    %dma_start3A_154 = arith.constant 23 : i32
    %dma_start3A_155 = arith.constant 0 : i32
    %dma_start3A_156 = tpu.memref_slice %arg3[%dma_start3A_154, %dma_start3A_155, %mul3A_2] : memref<25x130x16384xf32, #tpu.memory_space<hbm>> -> memref<1x128x512xf32, #tpu.memory_space<hbm>>
    tpu.enqueue_dma source(%arg4 : memref<1x128x512xf32, #tpu.memory_space<vmem>>) target(%dma_start3A_156 : memref<1x128x512xf32, #tpu.memory_space<hbm>>) target_semaphore(%arg6 : memref<!tpu.dma_semaphore, #tpu.memory_space<semaphore_mem>>)
    %dma_start3A_157 = arith.constant 24 : i32
    %dma_start3A_158 = arith.constant 0 : i32
    %dma_start3A_159 = tpu.memref_slice %arg3[%dma_start3A_157, %dma_start3A_158, %mul3A_2] : memref<25x130x16384xf32, #tpu.memory_space<hbm>> -> memref<1x128x512xf32, #tpu.memory_space<hbm>>
    %dma_start3A_160 = arith.constant 24 : i32
    %dma_start3A_161 = arith.constant 0 : i32
    %dma_start3A_162 = tpu.memref_slice %arg3[%dma_start3A_160, %dma_start3A_161, %mul3A_2] : memref<25x130x16384xf32, #tpu.memory_space<hbm>> -> memref<1x128x512xf32, #tpu.memory_space<hbm>>
    tpu.enqueue_dma source(%arg4 : memref<1x128x512xf32, #tpu.memory_space<vmem>>) target(%dma_start3A_162 : memref<1x128x512xf32, #tpu.memory_space<hbm>>) target_semaphore(%arg6 : memref<!tpu.dma_semaphore, #tpu.memory_space<semaphore_mem>>)
    %dma_wait3A_163 = arith.constant 0 : i32
    %dma_wait3A_164 = arith.constant 0 : i32
    %dma_wait3A_165 = tpu.memref_slice %arg3[%dma_wait3A_163, %dma_wait3A_164, %mul3A_2] : memref<25x130x16384xf32, #tpu.memory_space<hbm>> -> memref<1x128x512xf32, #tpu.memory_space<hbm>>
    %dma_wait3A_166 = arith.constant 0 : i32
    %dma_wait3A_167 = arith.constant 0 : i32
    %dma_wait3A_168 = tpu.memref_slice %arg3[%dma_wait3A_166, %dma_wait3A_167, %mul3A_2] : memref<25x130x16384xf32, #tpu.memory_space<hbm>> -> memref<1x128x512xf32, #tpu.memory_space<hbm>>
    tpu.wait_dma2 semaphore(%arg6 : memref<!tpu.dma_semaphore, #tpu.memory_space<semaphore_mem>>) src(%arg4 : memref<1x128x512xf32, #tpu.memory_space<vmem>>) dst(%dma_wait3A_168 : memref<1x128x512xf32, #tpu.memory_space<hbm>>)
    %dma_wait3A_169 = arith.constant 1 : i32
    %dma_wait3A_170 = arith.constant 0 : i32
    %dma_wait3A_171 = tpu.memref_slice %arg3[%dma_wait3A_169, %dma_wait3A_170, %mul3A_2] : memref<25x130x16384xf32, #tpu.memory_space<hbm>> -> memref<1x128x512xf32, #tpu.memory_space<hbm>>
    %dma_wait3A_172 = arith.constant 1 : i32
    %dma_wait3A_173 = arith.constant 0 : i32
    %dma_wait3A_174 = tpu.memref_slice %arg3[%dma_wait3A_172, %dma_wait3A_173, %mul3A_2] : memref<25x130x16384xf32, #tpu.memory_space<hbm>> -> memref<1x128x512xf32, #tpu.memory_space<hbm>>
    tpu.wait_dma2 semaphore(%arg6 : memref<!tpu.dma_semaphore, #tpu.memory_space<semaphore_mem>>) src(%arg4 : memref<1x128x512xf32, #tpu.memory_space<vmem>>) dst(%dma_wait3A_174 : memref<1x128x512xf32, #tpu.memory_space<hbm>>)
    %dma_wait3A_175 = arith.constant 2 : i32
    %dma_wait3A_176 = arith.constant 0 : i32
    %dma_wait3A_177 = tpu.memref_slice %arg3[%dma_wait3A_175, %dma_wait3A_176, %mul3A_2] : memref<25x130x16384xf32, #tpu.memory_space<hbm>> -> memref<1x128x512xf32, #tpu.memory_space<hbm>>
    %dma_wait3A_178 = arith.constant 2 : i32
    %dma_wait3A_179 = arith.constant 0 : i32
    %dma_wait3A_180 = tpu.memref_slice %arg3[%dma_wait3A_178, %dma_wait3A_179, %mul3A_2] : memref<25x130x16384xf32, #tpu.memory_space<hbm>> -> memref<1x128x512xf32, #tpu.memory_space<hbm>>
    tpu.wait_dma2 semaphore(%arg6 : memref<!tpu.dma_semaphore, #tpu.memory_space<semaphore_mem>>) src(%arg4 : memref<1x128x512xf32, #tpu.memory_space<vmem>>) dst(%dma_wait3A_180 : memref<1x128x512xf32, #tpu.memory_space<hbm>>)
    %dma_wait3A_181 = arith.constant 3 : i32
    %dma_wait3A_182 = arith.constant 0 : i32
    %dma_wait3A_183 = tpu.memref_slice %arg3[%dma_wait3A_181, %dma_wait3A_182, %mul3A_2] : memref<25x130x16384xf32, #tpu.memory_space<hbm>> -> memref<1x128x512xf32, #tpu.memory_space<hbm>>
    %dma_wait3A_184 = arith.constant 3 : i32
    %dma_wait3A_185 = arith.constant 0 : i32
    %dma_wait3A_186 = tpu.memref_slice %arg3[%dma_wait3A_184, %dma_wait3A_185, %mul3A_2] : memref<25x130x16384xf32, #tpu.memory_space<hbm>> -> memref<1x128x512xf32, #tpu.memory_space<hbm>>
    tpu.wait_dma2 semaphore(%arg6 : memref<!tpu.dma_semaphore, #tpu.memory_space<semaphore_mem>>) src(%arg4 : memref<1x128x512xf32, #tpu.memory_space<vmem>>) dst(%dma_wait3A_186 : memref<1x128x512xf32, #tpu.memory_space<hbm>>)
    %dma_wait3A_187 = arith.constant 4 : i32
    %dma_wait3A_188 = arith.constant 0 : i32
    %dma_wait3A_189 = tpu.memref_slice %arg3[%dma_wait3A_187, %dma_wait3A_188, %mul3A_2] : memref<25x130x16384xf32, #tpu.memory_space<hbm>> -> memref<1x128x512xf32, #tpu.memory_space<hbm>>
    %dma_wait3A_190 = arith.constant 4 : i32
    %dma_wait3A_191 = arith.constant 0 : i32
    %dma_wait3A_192 = tpu.memref_slice %arg3[%dma_wait3A_190, %dma_wait3A_191, %mul3A_2] : memref<25x130x16384xf32, #tpu.memory_space<hbm>> -> memref<1x128x512xf32, #tpu.memory_space<hbm>>
    tpu.wait_dma2 semaphore(%arg6 : memref<!tpu.dma_semaphore, #tpu.memory_space<semaphore_mem>>) src(%arg4 : memref<1x128x512xf32, #tpu.memory_space<vmem>>) dst(%dma_wait3A_192 : memref<1x128x512xf32, #tpu.memory_space<hbm>>)
    %dma_wait3A_193 = arith.constant 5 : i32
    %dma_wait3A_194 = arith.constant 0 : i32
    %dma_wait3A_195 = tpu.memref_slice %arg3[%dma_wait3A_193, %dma_wait3A_194, %mul3A_2] : memref<25x130x16384xf32, #tpu.memory_space<hbm>> -> memref<1x128x512xf32, #tpu.memory_space<hbm>>
    %dma_wait3A_196 = arith.constant 5 : i32
    %dma_wait3A_197 = arith.constant 0 : i32
    %dma_wait3A_198 = tpu.memref_slice %arg3[%dma_wait3A_196, %dma_wait3A_197, %mul3A_2] : memref<25x130x16384xf32, #tpu.memory_space<hbm>> -> memref<1x128x512xf32, #tpu.memory_space<hbm>>
    tpu.wait_dma2 semaphore(%arg6 : memref<!tpu.dma_semaphore, #tpu.memory_space<semaphore_mem>>) src(%arg4 : memref<1x128x512xf32, #tpu.memory_space<vmem>>) dst(%dma_wait3A_198 : memref<1x128x512xf32, #tpu.memory_space<hbm>>)
    %dma_wait3A_199 = arith.constant 6 : i32
    %dma_wait3A_200 = arith.constant 0 : i32
    %dma_wait3A_201 = tpu.memref_slice %arg3[%dma_wait3A_199, %dma_wait3A_200, %mul3A_2] : memref<25x130x16384xf32, #tpu.memory_space<hbm>> -> memref<1x128x512xf32, #tpu.memory_space<hbm>>
    %dma_wait3A_202 = arith.constant 6 : i32
    %dma_wait3A_203 = arith.constant 0 : i32
    %dma_wait3A_204 = tpu.memref_slice %arg3[%dma_wait3A_202, %dma_wait3A_203, %mul3A_2] : memref<25x130x16384xf32, #tpu.memory_space<hbm>> -> memref<1x128x512xf32, #tpu.memory_space<hbm>>
    tpu.wait_dma2 semaphore(%arg6 : memref<!tpu.dma_semaphore, #tpu.memory_space<semaphore_mem>>) src(%arg4 : memref<1x128x512xf32, #tpu.memory_space<vmem>>) dst(%dma_wait3A_204 : memref<1x128x512xf32, #tpu.memory_space<hbm>>)
    %dma_wait3A_205 = arith.constant 7 : i32
    %dma_wait3A_206 = arith.constant 0 : i32
    %dma_wait3A_207 = tpu.memref_slice %arg3[%dma_wait3A_205, %dma_wait3A_206, %mul3A_2] : memref<25x130x16384xf32, #tpu.memory_space<hbm>> -> memref<1x128x512xf32, #tpu.memory_space<hbm>>
    %dma_wait3A_208 = arith.constant 7 : i32
    %dma_wait3A_209 = arith.constant 0 : i32
    %dma_wait3A_210 = tpu.memref_slice %arg3[%dma_wait3A_208, %dma_wait3A_209, %mul3A_2] : memref<25x130x16384xf32, #tpu.memory_space<hbm>> -> memref<1x128x512xf32, #tpu.memory_space<hbm>>
    tpu.wait_dma2 semaphore(%arg6 : memref<!tpu.dma_semaphore, #tpu.memory_space<semaphore_mem>>) src(%arg4 : memref<1x128x512xf32, #tpu.memory_space<vmem>>) dst(%dma_wait3A_210 : memref<1x128x512xf32, #tpu.memory_space<hbm>>)
    %dma_wait3A_211 = arith.constant 8 : i32
    %dma_wait3A_212 = arith.constant 0 : i32
    %dma_wait3A_213 = tpu.memref_slice %arg3[%dma_wait3A_211, %dma_wait3A_212, %mul3A_2] : memref<25x130x16384xf32, #tpu.memory_space<hbm>> -> memref<1x128x512xf32, #tpu.memory_space<hbm>>
    %dma_wait3A_214 = arith.constant 8 : i32
    %dma_wait3A_215 = arith.constant 0 : i32
    %dma_wait3A_216 = tpu.memref_slice %arg3[%dma_wait3A_214, %dma_wait3A_215, %mul3A_2] : memref<25x130x16384xf32, #tpu.memory_space<hbm>> -> memref<1x128x512xf32, #tpu.memory_space<hbm>>
    tpu.wait_dma2 semaphore(%arg6 : memref<!tpu.dma_semaphore, #tpu.memory_space<semaphore_mem>>) src(%arg4 : memref<1x128x512xf32, #tpu.memory_space<vmem>>) dst(%dma_wait3A_216 : memref<1x128x512xf32, #tpu.memory_space<hbm>>)
    %dma_wait3A_217 = arith.constant 9 : i32
    %dma_wait3A_218 = arith.constant 0 : i32
    %dma_wait3A_219 = tpu.memref_slice %arg3[%dma_wait3A_217, %dma_wait3A_218, %mul3A_2] : memref<25x130x16384xf32, #tpu.memory_space<hbm>> -> memref<1x128x512xf32, #tpu.memory_space<hbm>>
    %dma_wait3A_220 = arith.constant 9 : i32
    %dma_wait3A_221 = arith.constant 0 : i32
    %dma_wait3A_222 = tpu.memref_slice %arg3[%dma_wait3A_220, %dma_wait3A_221, %mul3A_2] : memref<25x130x16384xf32, #tpu.memory_space<hbm>> -> memref<1x128x512xf32, #tpu.memory_space<hbm>>
    tpu.wait_dma2 semaphore(%arg6 : memref<!tpu.dma_semaphore, #tpu.memory_space<semaphore_mem>>) src(%arg4 : memref<1x128x512xf32, #tpu.memory_space<vmem>>) dst(%dma_wait3A_222 : memref<1x128x512xf32, #tpu.memory_space<hbm>>)
    %dma_wait3A_223 = arith.constant 10 : i32
    %dma_wait3A_224 = arith.constant 0 : i32
    %dma_wait3A_225 = tpu.memref_slice %arg3[%dma_wait3A_223, %dma_wait3A_224, %mul3A_2] : memref<25x130x16384xf32, #tpu.memory_space<hbm>> -> memref<1x128x512xf32, #tpu.memory_space<hbm>>
    %dma_wait3A_226 = arith.constant 10 : i32
    %dma_wait3A_227 = arith.constant 0 : i32
    %dma_wait3A_228 = tpu.memref_slice %arg3[%dma_wait3A_226, %dma_wait3A_227, %mul3A_2] : memref<25x130x16384xf32, #tpu.memory_space<hbm>> -> memref<1x128x512xf32, #tpu.memory_space<hbm>>
    tpu.wait_dma2 semaphore(%arg6 : memref<!tpu.dma_semaphore, #tpu.memory_space<semaphore_mem>>) src(%arg4 : memref<1x128x512xf32, #tpu.memory_space<vmem>>) dst(%dma_wait3A_228 : memref<1x128x512xf32, #tpu.memory_space<hbm>>)
    %dma_wait3A_229 = arith.constant 11 : i32
    %dma_wait3A_230 = arith.constant 0 : i32
    %dma_wait3A_231 = tpu.memref_slice %arg3[%dma_wait3A_229, %dma_wait3A_230, %mul3A_2] : memref<25x130x16384xf32, #tpu.memory_space<hbm>> -> memref<1x128x512xf32, #tpu.memory_space<hbm>>
    %dma_wait3A_232 = arith.constant 11 : i32
    %dma_wait3A_233 = arith.constant 0 : i32
    %dma_wait3A_234 = tpu.memref_slice %arg3[%dma_wait3A_232, %dma_wait3A_233, %mul3A_2] : memref<25x130x16384xf32, #tpu.memory_space<hbm>> -> memref<1x128x512xf32, #tpu.memory_space<hbm>>
    tpu.wait_dma2 semaphore(%arg6 : memref<!tpu.dma_semaphore, #tpu.memory_space<semaphore_mem>>) src(%arg4 : memref<1x128x512xf32, #tpu.memory_space<vmem>>) dst(%dma_wait3A_234 : memref<1x128x512xf32, #tpu.memory_space<hbm>>)
    %dma_wait3A_235 = arith.constant 12 : i32
    %dma_wait3A_236 = arith.constant 0 : i32
    %dma_wait3A_237 = tpu.memref_slice %arg3[%dma_wait3A_235, %dma_wait3A_236, %mul3A_2] : memref<25x130x16384xf32, #tpu.memory_space<hbm>> -> memref<1x128x512xf32, #tpu.memory_space<hbm>>
    %dma_wait3A_238 = arith.constant 12 : i32
    %dma_wait3A_239 = arith.constant 0 : i32
    %dma_wait3A_240 = tpu.memref_slice %arg3[%dma_wait3A_238, %dma_wait3A_239, %mul3A_2] : memref<25x130x16384xf32, #tpu.memory_space<hbm>> -> memref<1x128x512xf32, #tpu.memory_space<hbm>>
    tpu.wait_dma2 semaphore(%arg6 : memref<!tpu.dma_semaphore, #tpu.memory_space<semaphore_mem>>) src(%arg4 : memref<1x128x512xf32, #tpu.memory_space<vmem>>) dst(%dma_wait3A_240 : memref<1x128x512xf32, #tpu.memory_space<hbm>>)
    %dma_wait3A_241 = arith.constant 13 : i32
    %dma_wait3A_242 = arith.constant 0 : i32
    %dma_wait3A_243 = tpu.memref_slice %arg3[%dma_wait3A_241, %dma_wait3A_242, %mul3A_2] : memref<25x130x16384xf32, #tpu.memory_space<hbm>> -> memref<1x128x512xf32, #tpu.memory_space<hbm>>
    %dma_wait3A_244 = arith.constant 13 : i32
    %dma_wait3A_245 = arith.constant 0 : i32
    %dma_wait3A_246 = tpu.memref_slice %arg3[%dma_wait3A_244, %dma_wait3A_245, %mul3A_2] : memref<25x130x16384xf32, #tpu.memory_space<hbm>> -> memref<1x128x512xf32, #tpu.memory_space<hbm>>
    tpu.wait_dma2 semaphore(%arg6 : memref<!tpu.dma_semaphore, #tpu.memory_space<semaphore_mem>>) src(%arg4 : memref<1x128x512xf32, #tpu.memory_space<vmem>>) dst(%dma_wait3A_246 : memref<1x128x512xf32, #tpu.memory_space<hbm>>)
    %dma_wait3A_247 = arith.constant 14 : i32
    %dma_wait3A_248 = arith.constant 0 : i32
    %dma_wait3A_249 = tpu.memref_slice %arg3[%dma_wait3A_247, %dma_wait3A_248, %mul3A_2] : memref<25x130x16384xf32, #tpu.memory_space<hbm>> -> memref<1x128x512xf32, #tpu.memory_space<hbm>>
    %dma_wait3A_250 = arith.constant 14 : i32
    %dma_wait3A_251 = arith.constant 0 : i32
    %dma_wait3A_252 = tpu.memref_slice %arg3[%dma_wait3A_250, %dma_wait3A_251, %mul3A_2] : memref<25x130x16384xf32, #tpu.memory_space<hbm>> -> memref<1x128x512xf32, #tpu.memory_space<hbm>>
    tpu.wait_dma2 semaphore(%arg6 : memref<!tpu.dma_semaphore, #tpu.memory_space<semaphore_mem>>) src(%arg4 : memref<1x128x512xf32, #tpu.memory_space<vmem>>) dst(%dma_wait3A_252 : memref<1x128x512xf32, #tpu.memory_space<hbm>>)
    %dma_wait3A_253 = arith.constant 15 : i32
    %dma_wait3A_254 = arith.constant 0 : i32
    %dma_wait3A_255 = tpu.memref_slice %arg3[%dma_wait3A_253, %dma_wait3A_254, %mul3A_2] : memref<25x130x16384xf32, #tpu.memory_space<hbm>> -> memref<1x128x512xf32, #tpu.memory_space<hbm>>
    %dma_wait3A_256 = arith.constant 15 : i32
    %dma_wait3A_257 = arith.constant 0 : i32
    %dma_wait3A_258 = tpu.memref_slice %arg3[%dma_wait3A_256, %dma_wait3A_257, %mul3A_2] : memref<25x130x16384xf32, #tpu.memory_space<hbm>> -> memref<1x128x512xf32, #tpu.memory_space<hbm>>
    tpu.wait_dma2 semaphore(%arg6 : memref<!tpu.dma_semaphore, #tpu.memory_space<semaphore_mem>>) src(%arg4 : memref<1x128x512xf32, #tpu.memory_space<vmem>>) dst(%dma_wait3A_258 : memref<1x128x512xf32, #tpu.memory_space<hbm>>)
    %dma_wait3A_259 = arith.constant 16 : i32
    %dma_wait3A_260 = arith.constant 0 : i32
    %dma_wait3A_261 = tpu.memref_slice %arg3[%dma_wait3A_259, %dma_wait3A_260, %mul3A_2] : memref<25x130x16384xf32, #tpu.memory_space<hbm>> -> memref<1x128x512xf32, #tpu.memory_space<hbm>>
    %dma_wait3A_262 = arith.constant 16 : i32
    %dma_wait3A_263 = arith.constant 0 : i32
    %dma_wait3A_264 = tpu.memref_slice %arg3[%dma_wait3A_262, %dma_wait3A_263, %mul3A_2] : memref<25x130x16384xf32, #tpu.memory_space<hbm>> -> memref<1x128x512xf32, #tpu.memory_space<hbm>>
    tpu.wait_dma2 semaphore(%arg6 : memref<!tpu.dma_semaphore, #tpu.memory_space<semaphore_mem>>) src(%arg4 : memref<1x128x512xf32, #tpu.memory_space<vmem>>) dst(%dma_wait3A_264 : memref<1x128x512xf32, #tpu.memory_space<hbm>>)
    %dma_wait3A_265 = arith.constant 17 : i32
    %dma_wait3A_266 = arith.constant 0 : i32
    %dma_wait3A_267 = tpu.memref_slice %arg3[%dma_wait3A_265, %dma_wait3A_266, %mul3A_2] : memref<25x130x16384xf32, #tpu.memory_space<hbm>> -> memref<1x128x512xf32, #tpu.memory_space<hbm>>
    %dma_wait3A_268 = arith.constant 17 : i32
    %dma_wait3A_269 = arith.constant 0 : i32
    %dma_wait3A_270 = tpu.memref_slice %arg3[%dma_wait3A_268, %dma_wait3A_269, %mul3A_2] : memref<25x130x16384xf32, #tpu.memory_space<hbm>> -> memref<1x128x512xf32, #tpu.memory_space<hbm>>
    tpu.wait_dma2 semaphore(%arg6 : memref<!tpu.dma_semaphore, #tpu.memory_space<semaphore_mem>>) src(%arg4 : memref<1x128x512xf32, #tpu.memory_space<vmem>>) dst(%dma_wait3A_270 : memref<1x128x512xf32, #tpu.memory_space<hbm>>)
    %dma_wait3A_271 = arith.constant 18 : i32
    %dma_wait3A_272 = arith.constant 0 : i32
    %dma_wait3A_273 = tpu.memref_slice %arg3[%dma_wait3A_271, %dma_wait3A_272, %mul3A_2] : memref<25x130x16384xf32, #tpu.memory_space<hbm>> -> memref<1x128x512xf32, #tpu.memory_space<hbm>>
    %dma_wait3A_274 = arith.constant 18 : i32
    %dma_wait3A_275 = arith.constant 0 : i32
    %dma_wait3A_276 = tpu.memref_slice %arg3[%dma_wait3A_274, %dma_wait3A_275, %mul3A_2] : memref<25x130x16384xf32, #tpu.memory_space<hbm>> -> memref<1x128x512xf32, #tpu.memory_space<hbm>>
    tpu.wait_dma2 semaphore(%arg6 : memref<!tpu.dma_semaphore, #tpu.memory_space<semaphore_mem>>) src(%arg4 : memref<1x128x512xf32, #tpu.memory_space<vmem>>) dst(%dma_wait3A_276 : memref<1x128x512xf32, #tpu.memory_space<hbm>>)
    %dma_wait3A_277 = arith.constant 19 : i32
    %dma_wait3A_278 = arith.constant 0 : i32
    %dma_wait3A_279 = tpu.memref_slice %arg3[%dma_wait3A_277, %dma_wait3A_278, %mul3A_2] : memref<25x130x16384xf32, #tpu.memory_space<hbm>> -> memref<1x128x512xf32, #tpu.memory_space<hbm>>
    %dma_wait3A_280 = arith.constant 19 : i32
    %dma_wait3A_281 = arith.constant 0 : i32
    %dma_wait3A_282 = tpu.memref_slice %arg3[%dma_wait3A_280, %dma_wait3A_281, %mul3A_2] : memref<25x130x16384xf32, #tpu.memory_space<hbm>> -> memref<1x128x512xf32, #tpu.memory_space<hbm>>
    tpu.wait_dma2 semaphore(%arg6 : memref<!tpu.dma_semaphore, #tpu.memory_space<semaphore_mem>>) src(%arg4 : memref<1x128x512xf32, #tpu.memory_space<vmem>>) dst(%dma_wait3A_282 : memref<1x128x512xf32, #tpu.memory_space<hbm>>)
    %dma_wait3A_283 = arith.constant 20 : i32
    %dma_wait3A_284 = arith.constant 0 : i32
    %dma_wait3A_285 = tpu.memref_slice %arg3[%dma_wait3A_283, %dma_wait3A_284, %mul3A_2] : memref<25x130x16384xf32, #tpu.memory_space<hbm>> -> memref<1x128x512xf32, #tpu.memory_space<hbm>>
    %dma_wait3A_286 = arith.constant 20 : i32
    %dma_wait3A_287 = arith.constant 0 : i32
    %dma_wait3A_288 = tpu.memref_slice %arg3[%dma_wait3A_286, %dma_wait3A_287, %mul3A_2] : memref<25x130x16384xf32, #tpu.memory_space<hbm>> -> memref<1x128x512xf32, #tpu.memory_space<hbm>>
    tpu.wait_dma2 semaphore(%arg6 : memref<!tpu.dma_semaphore, #tpu.memory_space<semaphore_mem>>) src(%arg4 : memref<1x128x512xf32, #tpu.memory_space<vmem>>) dst(%dma_wait3A_288 : memref<1x128x512xf32, #tpu.memory_space<hbm>>)
    %dma_wait3A_289 = arith.constant 21 : i32
    %dma_wait3A_290 = arith.constant 0 : i32
    %dma_wait3A_291 = tpu.memref_slice %arg3[%dma_wait3A_289, %dma_wait3A_290, %mul3A_2] : memref<25x130x16384xf32, #tpu.memory_space<hbm>> -> memref<1x128x512xf32, #tpu.memory_space<hbm>>
    %dma_wait3A_292 = arith.constant 21 : i32
    %dma_wait3A_293 = arith.constant 0 : i32
    %dma_wait3A_294 = tpu.memref_slice %arg3[%dma_wait3A_292, %dma_wait3A_293, %mul3A_2] : memref<25x130x16384xf32, #tpu.memory_space<hbm>> -> memref<1x128x512xf32, #tpu.memory_space<hbm>>
    tpu.wait_dma2 semaphore(%arg6 : memref<!tpu.dma_semaphore, #tpu.memory_space<semaphore_mem>>) src(%arg4 : memref<1x128x512xf32, #tpu.memory_space<vmem>>) dst(%dma_wait3A_294 : memref<1x128x512xf32, #tpu.memory_space<hbm>>)
    %dma_wait3A_295 = arith.constant 22 : i32
    %dma_wait3A_296 = arith.constant 0 : i32
    %dma_wait3A_297 = tpu.memref_slice %arg3[%dma_wait3A_295, %dma_wait3A_296, %mul3A_2] : memref<25x130x16384xf32, #tpu.memory_space<hbm>> -> memref<1x128x512xf32, #tpu.memory_space<hbm>>
    %dma_wait3A_298 = arith.constant 22 : i32
    %dma_wait3A_299 = arith.constant 0 : i32
    %dma_wait3A_300 = tpu.memref_slice %arg3[%dma_wait3A_298, %dma_wait3A_299, %mul3A_2] : memref<25x130x16384xf32, #tpu.memory_space<hbm>> -> memref<1x128x512xf32, #tpu.memory_space<hbm>>
    tpu.wait_dma2 semaphore(%arg6 : memref<!tpu.dma_semaphore, #tpu.memory_space<semaphore_mem>>) src(%arg4 : memref<1x128x512xf32, #tpu.memory_space<vmem>>) dst(%dma_wait3A_300 : memref<1x128x512xf32, #tpu.memory_space<hbm>>)
    %dma_wait3A_301 = arith.constant 23 : i32
    %dma_wait3A_302 = arith.constant 0 : i32
    %dma_wait3A_303 = tpu.memref_slice %arg3[%dma_wait3A_301, %dma_wait3A_302, %mul3A_2] : memref<25x130x16384xf32, #tpu.memory_space<hbm>> -> memref<1x128x512xf32, #tpu.memory_space<hbm>>
    %dma_wait3A_304 = arith.constant 23 : i32
    %dma_wait3A_305 = arith.constant 0 : i32
    %dma_wait3A_306 = tpu.memref_slice %arg3[%dma_wait3A_304, %dma_wait3A_305, %mul3A_2] : memref<25x130x16384xf32, #tpu.memory_space<hbm>> -> memref<1x128x512xf32, #tpu.memory_space<hbm>>
    tpu.wait_dma2 semaphore(%arg6 : memref<!tpu.dma_semaphore, #tpu.memory_space<semaphore_mem>>) src(%arg4 : memref<1x128x512xf32, #tpu.memory_space<vmem>>) dst(%dma_wait3A_306 : memref<1x128x512xf32, #tpu.memory_space<hbm>>)
    %dma_wait3A_307 = arith.constant 24 : i32
    %dma_wait3A_308 = arith.constant 0 : i32
    %dma_wait3A_309 = tpu.memref_slice %arg3[%dma_wait3A_307, %dma_wait3A_308, %mul3A_2] : memref<25x130x16384xf32, #tpu.memory_space<hbm>> -> memref<1x128x512xf32, #tpu.memory_space<hbm>>
    %dma_wait3A_310 = arith.constant 24 : i32
    %dma_wait3A_311 = arith.constant 0 : i32
    %dma_wait3A_312 = tpu.memref_slice %arg3[%dma_wait3A_310, %dma_wait3A_311, %mul3A_2] : memref<25x130x16384xf32, #tpu.memory_space<hbm>> -> memref<1x128x512xf32, #tpu.memory_space<hbm>>
    tpu.wait_dma2 semaphore(%arg6 : memref<!tpu.dma_semaphore, #tpu.memory_space<semaphore_mem>>) src(%arg4 : memref<1x128x512xf32, #tpu.memory_space<vmem>>) dst(%dma_wait3A_312 : memref<1x128x512xf32, #tpu.memory_space<hbm>>)
    return
  }
}

module attributes {stable_mosaic.version = 14 : i64} {
  func.func @_tc_pairs_body(%arg0: memref<25x130x16384xf32, #tpu.memory_space<any>>, %arg1: memref<1x26x16384xf32, #tpu.memory_space<vmem>>, %arg2: memref<25x130x16384xf32, #tpu.memory_space<any>>, %arg3: memref<25x2x16384xf32, #tpu.memory_space<vmem>>, %arg4: memref<!tpu.dma_semaphore, #tpu.memory_space<semaphore_mem>>) attributes {dimension_semantics = [], scalar_prefetch = 0 : i64, scratch_operands = 2 : i64, tpu.core_type = #tpu.core_type<tc>} {
    %get3A = arith.constant 0 : index
    %get3A_0 = arith.constant 0 : index
    %get3A_1 = arith.constant 0 : index
    %get3A_2 = vector.load %arg1[%get3A, %get3A_0, %get3A_1] : memref<1x26x16384xf32, #tpu.memory_space<vmem>>, vector<1x1x16384xf32>
    %get3A_3 = vector.shape_cast %get3A_2 : vector<1x1x16384xf32> to vector<16384xf32>
    %swap3A = arith.constant 0 : index
    %swap3A_4 = arith.constant 0 : index
    %swap3A_5 = arith.constant 0 : index
    %swap3A_6 = vector.load %arg3[%swap3A, %swap3A_4, %swap3A_5] : memref<25x2x16384xf32, #tpu.memory_space<vmem>>, vector<1x1x16384xf32>
    %swap3A_7 = vector.shape_cast %swap3A_6 : vector<1x1x16384xf32> to vector<16384xf32>
    %swap3A_8 = vector.shape_cast %get3A_3 : vector<16384xf32> to vector<1x1x16384xf32>
    tpu.vector_store %arg3[%swap3A, %swap3A_4, %swap3A_5], %swap3A_8 {strides = array<i32>} : memref<25x2x16384xf32, #tpu.memory_space<vmem>>, vector<1x1x16384xf32>,
    %get3A_9 = arith.constant 0 : index
    %get3A_10 = arith.constant 1 : index
    %get3A_11 = arith.constant 0 : index
    %get3A_12 = vector.load %arg1[%get3A_9, %get3A_10, %get3A_11] : memref<1x26x16384xf32, #tpu.memory_space<vmem>>, vector<1x1x16384xf32>
    %get3A_13 = vector.shape_cast %get3A_12 : vector<1x1x16384xf32> to vector<16384xf32>
    %swap3A_14 = arith.constant 0 : index
    %swap3A_15 = arith.constant 1 : index
    %swap3A_16 = arith.constant 0 : index
    %swap3A_17 = vector.load %arg3[%swap3A_14, %swap3A_15, %swap3A_16] : memref<25x2x16384xf32, #tpu.memory_space<vmem>>, vector<1x1x16384xf32>
    %swap3A_18 = vector.shape_cast %swap3A_17 : vector<1x1x16384xf32> to vector<16384xf32>
    %swap3A_19 = vector.shape_cast %get3A_13 : vector<16384xf32> to vector<1x1x16384xf32>
    tpu.vector_store %arg3[%swap3A_14, %swap3A_15, %swap3A_16], %swap3A_19 {strides = array<i32>} : memref<25x2x16384xf32, #tpu.memory_space<vmem>>, vector<1x1x16384xf32>,
    %get3A_20 = arith.constant 0 : index
    %get3A_21 = arith.constant 1 : index
    %get3A_22 = arith.constant 0 : index
    %get3A_23 = vector.load %arg1[%get3A_20, %get3A_21, %get3A_22] : memref<1x26x16384xf32, #tpu.memory_space<vmem>>, vector<1x1x16384xf32>
    %get3A_24 = vector.shape_cast %get3A_23 : vector<1x1x16384xf32> to vector<16384xf32>
    %swap3A_25 = arith.constant 1 : index
    %swap3A_26 = arith.constant 0 : index
    %swap3A_27 = arith.constant 0 : index
    %swap3A_28 = vector.load %arg3[%swap3A_25, %swap3A_26, %swap3A_27] : memref<25x2x16384xf32, #tpu.memory_space<vmem>>, vector<1x1x16384xf32>
    %swap3A_29 = vector.shape_cast %swap3A_28 : vector<1x1x16384xf32> to vector<16384xf32>
    %swap3A_30 = vector.shape_cast %get3A_24 : vector<16384xf32> to vector<1x1x16384xf32>
    tpu.vector_store %arg3[%swap3A_25, %swap3A_26, %swap3A_27], %swap3A_30 {strides = array<i32>} : memref<25x2x16384xf32, #tpu.memory_space<vmem>>, vector<1x1x16384xf32>,
    %get3A_31 = arith.constant 0 : index
    %get3A_32 = arith.constant 2 : index
    %get3A_33 = arith.constant 0 : index
    %get3A_34 = vector.load %arg1[%get3A_31, %get3A_32, %get3A_33] : memref<1x26x16384xf32, #tpu.memory_space<vmem>>, vector<1x1x16384xf32>
    %get3A_35 = vector.shape_cast %get3A_34 : vector<1x1x16384xf32> to vector<16384xf32>
    %swap3A_36 = arith.constant 1 : index
    %swap3A_37 = arith.constant 1 : index
    %swap3A_38 = arith.constant 0 : index
    %swap3A_39 = vector.load %arg3[%swap3A_36, %swap3A_37, %swap3A_38] : memref<25x2x16384xf32, #tpu.memory_space<vmem>>, vector<1x1x16384xf32>
    %swap3A_40 = vector.shape_cast %swap3A_39 : vector<1x1x16384xf32> to vector<16384xf32>
    %swap3A_41 = vector.shape_cast %get3A_35 : vector<16384xf32> to vector<1x1x16384xf32>
    tpu.vector_store %arg3[%swap3A_36, %swap3A_37, %swap3A_38], %swap3A_41 {strides = array<i32>} : memref<25x2x16384xf32, #tpu.memory_space<vmem>>, vector<1x1x16384xf32>,
    %get3A_42 = arith.constant 0 : index
    %get3A_43 = arith.constant 2 : index
    %get3A_44 = arith.constant 0 : index
    %get3A_45 = vector.load %arg1[%get3A_42, %get3A_43, %get3A_44] : memref<1x26x16384xf32, #tpu.memory_space<vmem>>, vector<1x1x16384xf32>
    %get3A_46 = vector.shape_cast %get3A_45 : vector<1x1x16384xf32> to vector<16384xf32>
    %swap3A_47 = arith.constant 2 : index
    %swap3A_48 = arith.constant 0 : index
    %swap3A_49 = arith.constant 0 : index
    %swap3A_50 = vector.load %arg3[%swap3A_47, %swap3A_48, %swap3A_49] : memref<25x2x16384xf32, #tpu.memory_space<vmem>>, vector<1x1x16384xf32>
    %swap3A_51 = vector.shape_cast %swap3A_50 : vector<1x1x16384xf32> to vector<16384xf32>
    %swap3A_52 = vector.shape_cast %get3A_46 : vector<16384xf32> to vector<1x1x16384xf32>
    tpu.vector_store %arg3[%swap3A_47, %swap3A_48, %swap3A_49], %swap3A_52 {strides = array<i32>} : memref<25x2x16384xf32, #tpu.memory_space<vmem>>, vector<1x1x16384xf32>,
    %get3A_53 = arith.constant 0 : index
    %get3A_54 = arith.constant 3 : index
    %get3A_55 = arith.constant 0 : index
    %get3A_56 = vector.load %arg1[%get3A_53, %get3A_54, %get3A_55] : memref<1x26x16384xf32, #tpu.memory_space<vmem>>, vector<1x1x16384xf32>
    %get3A_57 = vector.shape_cast %get3A_56 : vector<1x1x16384xf32> to vector<16384xf32>
    %swap3A_58 = arith.constant 2 : index
    %swap3A_59 = arith.constant 1 : index
    %swap3A_60 = arith.constant 0 : index
    %swap3A_61 = vector.load %arg3[%swap3A_58, %swap3A_59, %swap3A_60] : memref<25x2x16384xf32, #tpu.memory_space<vmem>>, vector<1x1x16384xf32>
    %swap3A_62 = vector.shape_cast %swap3A_61 : vector<1x1x16384xf32> to vector<16384xf32>
    %swap3A_63 = vector.shape_cast %get3A_57 : vector<16384xf32> to vector<1x1x16384xf32>
    tpu.vector_store %arg3[%swap3A_58, %swap3A_59, %swap3A_60], %swap3A_63 {strides = array<i32>} : memref<25x2x16384xf32, #tpu.memory_space<vmem>>, vector<1x1x16384xf32>,
    %get3A_64 = arith.constant 0 : index
    %get3A_65 = arith.constant 3 : index
    %get3A_66 = arith.constant 0 : index
    %get3A_67 = vector.load %arg1[%get3A_64, %get3A_65, %get3A_66] : memref<1x26x16384xf32, #tpu.memory_space<vmem>>, vector<1x1x16384xf32>
    %get3A_68 = vector.shape_cast %get3A_67 : vector<1x1x16384xf32> to vector<16384xf32>
    %swap3A_69 = arith.constant 3 : index
    %swap3A_70 = arith.constant 0 : index
    %swap3A_71 = arith.constant 0 : index
    %swap3A_72 = vector.load %arg3[%swap3A_69, %swap3A_70, %swap3A_71] : memref<25x2x16384xf32, #tpu.memory_space<vmem>>, vector<1x1x16384xf32>
    %swap3A_73 = vector.shape_cast %swap3A_72 : vector<1x1x16384xf32> to vector<16384xf32>
    %swap3A_74 = vector.shape_cast %get3A_68 : vector<16384xf32> to vector<1x1x16384xf32>
    tpu.vector_store %arg3[%swap3A_69, %swap3A_70, %swap3A_71], %swap3A_74 {strides = array<i32>} : memref<25x2x16384xf32, #tpu.memory_space<vmem>>, vector<1x1x16384xf32>,
    %get3A_75 = arith.constant 0 : index
    %get3A_76 = arith.constant 4 : index
    %get3A_77 = arith.constant 0 : index
    %get3A_78 = vector.load %arg1[%get3A_75, %get3A_76, %get3A_77] : memref<1x26x16384xf32, #tpu.memory_space<vmem>>, vector<1x1x16384xf32>
    %get3A_79 = vector.shape_cast %get3A_78 : vector<1x1x16384xf32> to vector<16384xf32>
    %swap3A_80 = arith.constant 3 : index
    %swap3A_81 = arith.constant 1 : index
    %swap3A_82 = arith.constant 0 : index
    %swap3A_83 = vector.load %arg3[%swap3A_80, %swap3A_81, %swap3A_82] : memref<25x2x16384xf32, #tpu.memory_space<vmem>>, vector<1x1x16384xf32>
    %swap3A_84 = vector.shape_cast %swap3A_83 : vector<1x1x16384xf32> to vector<16384xf32>
    %swap3A_85 = vector.shape_cast %get3A_79 : vector<16384xf32> to vector<1x1x16384xf32>
    tpu.vector_store %arg3[%swap3A_80, %swap3A_81, %swap3A_82], %swap3A_85 {strides = array<i32>} : memref<25x2x16384xf32, #tpu.memory_space<vmem>>, vector<1x1x16384xf32>,
    %get3A_86 = arith.constant 0 : index
    %get3A_87 = arith.constant 4 : index
    %get3A_88 = arith.constant 0 : index
    %get3A_89 = vector.load %arg1[%get3A_86, %get3A_87, %get3A_88] : memref<1x26x16384xf32, #tpu.memory_space<vmem>>, vector<1x1x16384xf32>
    %get3A_90 = vector.shape_cast %get3A_89 : vector<1x1x16384xf32> to vector<16384xf32>
    %swap3A_91 = arith.constant 4 : index
    %swap3A_92 = arith.constant 0 : index
    %swap3A_93 = arith.constant 0 : index
    %swap3A_94 = vector.load %arg3[%swap3A_91, %swap3A_92, %swap3A_93] : memref<25x2x16384xf32, #tpu.memory_space<vmem>>, vector<1x1x16384xf32>
    %swap3A_95 = vector.shape_cast %swap3A_94 : vector<1x1x16384xf32> to vector<16384xf32>
    %swap3A_96 = vector.shape_cast %get3A_90 : vector<16384xf32> to vector<1x1x16384xf32>
    tpu.vector_store %arg3[%swap3A_91, %swap3A_92, %swap3A_93], %swap3A_96 {strides = array<i32>} : memref<25x2x16384xf32, #tpu.memory_space<vmem>>, vector<1x1x16384xf32>,
    %get3A_97 = arith.constant 0 : index
    %get3A_98 = arith.constant 5 : index
    %get3A_99 = arith.constant 0 : index
    %get3A_100 = vector.load %arg1[%get3A_97, %get3A_98, %get3A_99] : memref<1x26x16384xf32, #tpu.memory_space<vmem>>, vector<1x1x16384xf32>
    %get3A_101 = vector.shape_cast %get3A_100 : vector<1x1x16384xf32> to vector<16384xf32>
    %swap3A_102 = arith.constant 4 : index
    %swap3A_103 = arith.constant 1 : index
    %swap3A_104 = arith.constant 0 : index
    %swap3A_105 = vector.load %arg3[%swap3A_102, %swap3A_103, %swap3A_104] : memref<25x2x16384xf32, #tpu.memory_space<vmem>>, vector<1x1x16384xf32>
    %swap3A_106 = vector.shape_cast %swap3A_105 : vector<1x1x16384xf32> to vector<16384xf32>
    %swap3A_107 = vector.shape_cast %get3A_101 : vector<16384xf32> to vector<1x1x16384xf32>
    tpu.vector_store %arg3[%swap3A_102, %swap3A_103, %swap3A_104], %swap3A_107 {strides = array<i32>} : memref<25x2x16384xf32, #tpu.memory_space<vmem>>, vector<1x1x16384xf32>,
    %get3A_108 = arith.constant 0 : index
    %get3A_109 = arith.constant 5 : index
    %get3A_110 = arith.constant 0 : index
    %get3A_111 = vector.load %arg1[%get3A_108, %get3A_109, %get3A_110] : memref<1x26x16384xf32, #tpu.memory_space<vmem>>, vector<1x1x16384xf32>
    %get3A_112 = vector.shape_cast %get3A_111 : vector<1x1x16384xf32> to vector<16384xf32>
    %swap3A_113 = arith.constant 5 : index
    %swap3A_114 = arith.constant 0 : index
    %swap3A_115 = arith.constant 0 : index
    %swap3A_116 = vector.load %arg3[%swap3A_113, %swap3A_114, %swap3A_115] : memref<25x2x16384xf32, #tpu.memory_space<vmem>>, vector<1x1x16384xf32>
    %swap3A_117 = vector.shape_cast %swap3A_116 : vector<1x1x16384xf32> to vector<16384xf32>
    %swap3A_118 = vector.shape_cast %get3A_112 : vector<16384xf32> to vector<1x1x16384xf32>
    tpu.vector_store %arg3[%swap3A_113, %swap3A_114, %swap3A_115], %swap3A_118 {strides = array<i32>} : memref<25x2x16384xf32, #tpu.memory_space<vmem>>, vector<1x1x16384xf32>,
    %get3A_119 = arith.constant 0 : index
    %get3A_120 = arith.constant 6 : index
    %get3A_121 = arith.constant 0 : index
    %get3A_122 = vector.load %arg1[%get3A_119, %get3A_120, %get3A_121] : memref<1x26x16384xf32, #tpu.memory_space<vmem>>, vector<1x1x16384xf32>
    %get3A_123 = vector.shape_cast %get3A_122 : vector<1x1x16384xf32> to vector<16384xf32>
    %swap3A_124 = arith.constant 5 : index
    %swap3A_125 = arith.constant 1 : index
    %swap3A_126 = arith.constant 0 : index
    %swap3A_127 = vector.load %arg3[%swap3A_124, %swap3A_125, %swap3A_126] : memref<25x2x16384xf32, #tpu.memory_space<vmem>>, vector<1x1x16384xf32>
    %swap3A_128 = vector.shape_cast %swap3A_127 : vector<1x1x16384xf32> to vector<16384xf32>
    %swap3A_129 = vector.shape_cast %get3A_123 : vector<16384xf32> to vector<1x1x16384xf32>
    tpu.vector_store %arg3[%swap3A_124, %swap3A_125, %swap3A_126], %swap3A_129 {strides = array<i32>} : memref<25x2x16384xf32, #tpu.memory_space<vmem>>, vector<1x1x16384xf32>,
    %get3A_130 = arith.constant 0 : index
    %get3A_131 = arith.constant 6 : index
    %get3A_132 = arith.constant 0 : index
    %get3A_133 = vector.load %arg1[%get3A_130, %get3A_131, %get3A_132] : memref<1x26x16384xf32, #tpu.memory_space<vmem>>, vector<1x1x16384xf32>
    %get3A_134 = vector.shape_cast %get3A_133 : vector<1x1x16384xf32> to vector<16384xf32>
    %swap3A_135 = arith.constant 6 : index
    %swap3A_136 = arith.constant 0 : index
    %swap3A_137 = arith.constant 0 : index
    %swap3A_138 = vector.load %arg3[%swap3A_135, %swap3A_136, %swap3A_137] : memref<25x2x16384xf32, #tpu.memory_space<vmem>>, vector<1x1x16384xf32>
    %swap3A_139 = vector.shape_cast %swap3A_138 : vector<1x1x16384xf32> to vector<16384xf32>
    %swap3A_140 = vector.shape_cast %get3A_134 : vector<16384xf32> to vector<1x1x16384xf32>
    tpu.vector_store %arg3[%swap3A_135, %swap3A_136, %swap3A_137], %swap3A_140 {strides = array<i32>} : memref<25x2x16384xf32, #tpu.memory_space<vmem>>, vector<1x1x16384xf32>,
    %get3A_141 = arith.constant 0 : index
    %get3A_142 = arith.constant 7 : index
    %get3A_143 = arith.constant 0 : index
    %get3A_144 = vector.load %arg1[%get3A_141, %get3A_142, %get3A_143] : memref<1x26x16384xf32, #tpu.memory_space<vmem>>, vector<1x1x16384xf32>
    %get3A_145 = vector.shape_cast %get3A_144 : vector<1x1x16384xf32> to vector<16384xf32>
    %swap3A_146 = arith.constant 6 : index
    %swap3A_147 = arith.constant 1 : index
    %swap3A_148 = arith.constant 0 : index
    %swap3A_149 = vector.load %arg3[%swap3A_146, %swap3A_147, %swap3A_148] : memref<25x2x16384xf32, #tpu.memory_space<vmem>>, vector<1x1x16384xf32>
    %swap3A_150 = vector.shape_cast %swap3A_149 : vector<1x1x16384xf32> to vector<16384xf32>
    %swap3A_151 = vector.shape_cast %get3A_145 : vector<16384xf32> to vector<1x1x16384xf32>
    tpu.vector_store %arg3[%swap3A_146, %swap3A_147, %swap3A_148], %swap3A_151 {strides = array<i32>} : memref<25x2x16384xf32, #tpu.memory_space<vmem>>, vector<1x1x16384xf32>,
    %get3A_152 = arith.constant 0 : index
    %get3A_153 = arith.constant 7 : index
    %get3A_154 = arith.constant 0 : index
    %get3A_155 = vector.load %arg1[%get3A_152, %get3A_153, %get3A_154] : memref<1x26x16384xf32, #tpu.memory_space<vmem>>, vector<1x1x16384xf32>
    %get3A_156 = vector.shape_cast %get3A_155 : vector<1x1x16384xf32> to vector<16384xf32>
    %swap3A_157 = arith.constant 7 : index
    %swap3A_158 = arith.constant 0 : index
    %swap3A_159 = arith.constant 0 : index
    %swap3A_160 = vector.load %arg3[%swap3A_157, %swap3A_158, %swap3A_159] : memref<25x2x16384xf32, #tpu.memory_space<vmem>>, vector<1x1x16384xf32>
    %swap3A_161 = vector.shape_cast %swap3A_160 : vector<1x1x16384xf32> to vector<16384xf32>
    %swap3A_162 = vector.shape_cast %get3A_156 : vector<16384xf32> to vector<1x1x16384xf32>
    tpu.vector_store %arg3[%swap3A_157, %swap3A_158, %swap3A_159], %swap3A_162 {strides = array<i32>} : memref<25x2x16384xf32, #tpu.memory_space<vmem>>, vector<1x1x16384xf32>,
    %get3A_163 = arith.constant 0 : index
    %get3A_164 = arith.constant 8 : index
    %get3A_165 = arith.constant 0 : index
    %get3A_166 = vector.load %arg1[%get3A_163, %get3A_164, %get3A_165] : memref<1x26x16384xf32, #tpu.memory_space<vmem>>, vector<1x1x16384xf32>
    %get3A_167 = vector.shape_cast %get3A_166 : vector<1x1x16384xf32> to vector<16384xf32>
    %swap3A_168 = arith.constant 7 : index
    %swap3A_169 = arith.constant 1 : index
    %swap3A_170 = arith.constant 0 : index
    %swap3A_171 = vector.load %arg3[%swap3A_168, %swap3A_169, %swap3A_170] : memref<25x2x16384xf32, #tpu.memory_space<vmem>>, vector<1x1x16384xf32>
    %swap3A_172 = vector.shape_cast %swap3A_171 : vector<1x1x16384xf32> to vector<16384xf32>
    %swap3A_173 = vector.shape_cast %get3A_167 : vector<16384xf32> to vector<1x1x16384xf32>
    tpu.vector_store %arg3[%swap3A_168, %swap3A_169, %swap3A_170], %swap3A_173 {strides = array<i32>} : memref<25x2x16384xf32, #tpu.memory_space<vmem>>, vector<1x1x16384xf32>,
    %get3A_174 = arith.constant 0 : index
    %get3A_175 = arith.constant 8 : index
    %get3A_176 = arith.constant 0 : index
    %get3A_177 = vector.load %arg1[%get3A_174, %get3A_175, %get3A_176] : memref<1x26x16384xf32, #tpu.memory_space<vmem>>, vector<1x1x16384xf32>
    %get3A_178 = vector.shape_cast %get3A_177 : vector<1x1x16384xf32> to vector<16384xf32>
    %swap3A_179 = arith.constant 8 : index
    %swap3A_180 = arith.constant 0 : index
    %swap3A_181 = arith.constant 0 : index
    %swap3A_182 = vector.load %arg3[%swap3A_179, %swap3A_180, %swap3A_181] : memref<25x2x16384xf32, #tpu.memory_space<vmem>>, vector<1x1x16384xf32>
    %swap3A_183 = vector.shape_cast %swap3A_182 : vector<1x1x16384xf32> to vector<16384xf32>
    %swap3A_184 = vector.shape_cast %get3A_178 : vector<16384xf32> to vector<1x1x16384xf32>
    tpu.vector_store %arg3[%swap3A_179, %swap3A_180, %swap3A_181], %swap3A_184 {strides = array<i32>} : memref<25x2x16384xf32, #tpu.memory_space<vmem>>, vector<1x1x16384xf32>,
    %get3A_185 = arith.constant 0 : index
    %get3A_186 = arith.constant 9 : index
    %get3A_187 = arith.constant 0 : index
    %get3A_188 = vector.load %arg1[%get3A_185, %get3A_186, %get3A_187] : memref<1x26x16384xf32, #tpu.memory_space<vmem>>, vector<1x1x16384xf32>
    %get3A_189 = vector.shape_cast %get3A_188 : vector<1x1x16384xf32> to vector<16384xf32>
    %swap3A_190 = arith.constant 8 : index
    %swap3A_191 = arith.constant 1 : index
    %swap3A_192 = arith.constant 0 : index
    %swap3A_193 = vector.load %arg3[%swap3A_190, %swap3A_191, %swap3A_192] : memref<25x2x16384xf32, #tpu.memory_space<vmem>>, vector<1x1x16384xf32>
    %swap3A_194 = vector.shape_cast %swap3A_193 : vector<1x1x16384xf32> to vector<16384xf32>
    %swap3A_195 = vector.shape_cast %get3A_189 : vector<16384xf32> to vector<1x1x16384xf32>
    tpu.vector_store %arg3[%swap3A_190, %swap3A_191, %swap3A_192], %swap3A_195 {strides = array<i32>} : memref<25x2x16384xf32, #tpu.memory_space<vmem>>, vector<1x1x16384xf32>,
    %get3A_196 = arith.constant 0 : index
    %get3A_197 = arith.constant 9 : index
    %get3A_198 = arith.constant 0 : index
    %get3A_199 = vector.load %arg1[%get3A_196, %get3A_197, %get3A_198] : memref<1x26x16384xf32, #tpu.memory_space<vmem>>, vector<1x1x16384xf32>
    %get3A_200 = vector.shape_cast %get3A_199 : vector<1x1x16384xf32> to vector<16384xf32>
    %swap3A_201 = arith.constant 9 : index
    %swap3A_202 = arith.constant 0 : index
    %swap3A_203 = arith.constant 0 : index
    %swap3A_204 = vector.load %arg3[%swap3A_201, %swap3A_202, %swap3A_203] : memref<25x2x16384xf32, #tpu.memory_space<vmem>>, vector<1x1x16384xf32>
    %swap3A_205 = vector.shape_cast %swap3A_204 : vector<1x1x16384xf32> to vector<16384xf32>
    %swap3A_206 = vector.shape_cast %get3A_200 : vector<16384xf32> to vector<1x1x16384xf32>
    tpu.vector_store %arg3[%swap3A_201, %swap3A_202, %swap3A_203], %swap3A_206 {strides = array<i32>} : memref<25x2x16384xf32, #tpu.memory_space<vmem>>, vector<1x1x16384xf32>,
    %get3A_207 = arith.constant 0 : index
    %get3A_208 = arith.constant 10 : index
    %get3A_209 = arith.constant 0 : index
    %get3A_210 = vector.load %arg1[%get3A_207, %get3A_208, %get3A_209] : memref<1x26x16384xf32, #tpu.memory_space<vmem>>, vector<1x1x16384xf32>
    %get3A_211 = vector.shape_cast %get3A_210 : vector<1x1x16384xf32> to vector<16384xf32>
    %swap3A_212 = arith.constant 9 : index
    %swap3A_213 = arith.constant 1 : index
    %swap3A_214 = arith.constant 0 : index
    %swap3A_215 = vector.load %arg3[%swap3A_212, %swap3A_213, %swap3A_214] : memref<25x2x16384xf32, #tpu.memory_space<vmem>>, vector<1x1x16384xf32>
    %swap3A_216 = vector.shape_cast %swap3A_215 : vector<1x1x16384xf32> to vector<16384xf32>
    %swap3A_217 = vector.shape_cast %get3A_211 : vector<16384xf32> to vector<1x1x16384xf32>
    tpu.vector_store %arg3[%swap3A_212, %swap3A_213, %swap3A_214], %swap3A_217 {strides = array<i32>} : memref<25x2x16384xf32, #tpu.memory_space<vmem>>, vector<1x1x16384xf32>,
    %get3A_218 = arith.constant 0 : index
    %get3A_219 = arith.constant 10 : index
    %get3A_220 = arith.constant 0 : index
    %get3A_221 = vector.load %arg1[%get3A_218, %get3A_219, %get3A_220] : memref<1x26x16384xf32, #tpu.memory_space<vmem>>, vector<1x1x16384xf32>
    %get3A_222 = vector.shape_cast %get3A_221 : vector<1x1x16384xf32> to vector<16384xf32>
    %swap3A_223 = arith.constant 10 : index
    %swap3A_224 = arith.constant 0 : index
    %swap3A_225 = arith.constant 0 : index
    %swap3A_226 = vector.load %arg3[%swap3A_223, %swap3A_224, %swap3A_225] : memref<25x2x16384xf32, #tpu.memory_space<vmem>>, vector<1x1x16384xf32>
    %swap3A_227 = vector.shape_cast %swap3A_226 : vector<1x1x16384xf32> to vector<16384xf32>
    %swap3A_228 = vector.shape_cast %get3A_222 : vector<16384xf32> to vector<1x1x16384xf32>
    tpu.vector_store %arg3[%swap3A_223, %swap3A_224, %swap3A_225], %swap3A_228 {strides = array<i32>} : memref<25x2x16384xf32, #tpu.memory_space<vmem>>, vector<1x1x16384xf32>,
    %get3A_229 = arith.constant 0 : index
    %get3A_230 = arith.constant 11 : index
    %get3A_231 = arith.constant 0 : index
    %get3A_232 = vector.load %arg1[%get3A_229, %get3A_230, %get3A_231] : memref<1x26x16384xf32, #tpu.memory_space<vmem>>, vector<1x1x16384xf32>
    %get3A_233 = vector.shape_cast %get3A_232 : vector<1x1x16384xf32> to vector<16384xf32>
    %swap3A_234 = arith.constant 10 : index
    %swap3A_235 = arith.constant 1 : index
    %swap3A_236 = arith.constant 0 : index
    %swap3A_237 = vector.load %arg3[%swap3A_234, %swap3A_235, %swap3A_236] : memref<25x2x16384xf32, #tpu.memory_space<vmem>>, vector<1x1x16384xf32>
    %swap3A_238 = vector.shape_cast %swap3A_237 : vector<1x1x16384xf32> to vector<16384xf32>
    %swap3A_239 = vector.shape_cast %get3A_233 : vector<16384xf32> to vector<1x1x16384xf32>
    tpu.vector_store %arg3[%swap3A_234, %swap3A_235, %swap3A_236], %swap3A_239 {strides = array<i32>} : memref<25x2x16384xf32, #tpu.memory_space<vmem>>, vector<1x1x16384xf32>,
    %get3A_240 = arith.constant 0 : index
    %get3A_241 = arith.constant 11 : index
    %get3A_242 = arith.constant 0 : index
    %get3A_243 = vector.load %arg1[%get3A_240, %get3A_241, %get3A_242] : memref<1x26x16384xf32, #tpu.memory_space<vmem>>, vector<1x1x16384xf32>
    %get3A_244 = vector.shape_cast %get3A_243 : vector<1x1x16384xf32> to vector<16384xf32>
    %swap3A_245 = arith.constant 11 : index
    %swap3A_246 = arith.constant 0 : index
    %swap3A_247 = arith.constant 0 : index
    %swap3A_248 = vector.load %arg3[%swap3A_245, %swap3A_246, %swap3A_247] : memref<25x2x16384xf32, #tpu.memory_space<vmem>>, vector<1x1x16384xf32>
    %swap3A_249 = vector.shape_cast %swap3A_248 : vector<1x1x16384xf32> to vector<16384xf32>
    %swap3A_250 = vector.shape_cast %get3A_244 : vector<16384xf32> to vector<1x1x16384xf32>
    tpu.vector_store %arg3[%swap3A_245, %swap3A_246, %swap3A_247], %swap3A_250 {strides = array<i32>} : memref<25x2x16384xf32, #tpu.memory_space<vmem>>, vector<1x1x16384xf32>,
    %get3A_251 = arith.constant 0 : index
    %get3A_252 = arith.constant 12 : index
    %get3A_253 = arith.constant 0 : index
    %get3A_254 = vector.load %arg1[%get3A_251, %get3A_252, %get3A_253] : memref<1x26x16384xf32, #tpu.memory_space<vmem>>, vector<1x1x16384xf32>
    %get3A_255 = vector.shape_cast %get3A_254 : vector<1x1x16384xf32> to vector<16384xf32>
    %swap3A_256 = arith.constant 11 : index
    %swap3A_257 = arith.constant 1 : index
    %swap3A_258 = arith.constant 0 : index
    %swap3A_259 = vector.load %arg3[%swap3A_256, %swap3A_257, %swap3A_258] : memref<25x2x16384xf32, #tpu.memory_space<vmem>>, vector<1x1x16384xf32>
    %swap3A_260 = vector.shape_cast %swap3A_259 : vector<1x1x16384xf32> to vector<16384xf32>
    %swap3A_261 = vector.shape_cast %get3A_255 : vector<16384xf32> to vector<1x1x16384xf32>
    tpu.vector_store %arg3[%swap3A_256, %swap3A_257, %swap3A_258], %swap3A_261 {strides = array<i32>} : memref<25x2x16384xf32, #tpu.memory_space<vmem>>, vector<1x1x16384xf32>,
    %get3A_262 = arith.constant 0 : index
    %get3A_263 = arith.constant 12 : index
    %get3A_264 = arith.constant 0 : index
    %get3A_265 = vector.load %arg1[%get3A_262, %get3A_263, %get3A_264] : memref<1x26x16384xf32, #tpu.memory_space<vmem>>, vector<1x1x16384xf32>
    %get3A_266 = vector.shape_cast %get3A_265 : vector<1x1x16384xf32> to vector<16384xf32>
    %swap3A_267 = arith.constant 12 : index
    %swap3A_268 = arith.constant 0 : index
    %swap3A_269 = arith.constant 0 : index
    %swap3A_270 = vector.load %arg3[%swap3A_267, %swap3A_268, %swap3A_269] : memref<25x2x16384xf32, #tpu.memory_space<vmem>>, vector<1x1x16384xf32>
    %swap3A_271 = vector.shape_cast %swap3A_270 : vector<1x1x16384xf32> to vector<16384xf32>
    %swap3A_272 = vector.shape_cast %get3A_266 : vector<16384xf32> to vector<1x1x16384xf32>
    tpu.vector_store %arg3[%swap3A_267, %swap3A_268, %swap3A_269], %swap3A_272 {strides = array<i32>} : memref<25x2x16384xf32, #tpu.memory_space<vmem>>, vector<1x1x16384xf32>,
    %get3A_273 = arith.constant 0 : index
    %get3A_274 = arith.constant 13 : index
    %get3A_275 = arith.constant 0 : index
    %get3A_276 = vector.load %arg1[%get3A_273, %get3A_274, %get3A_275] : memref<1x26x16384xf32, #tpu.memory_space<vmem>>, vector<1x1x16384xf32>
    %get3A_277 = vector.shape_cast %get3A_276 : vector<1x1x16384xf32> to vector<16384xf32>
    %swap3A_278 = arith.constant 12 : index
    %swap3A_279 = arith.constant 1 : index
    %swap3A_280 = arith.constant 0 : index
    %swap3A_281 = vector.load %arg3[%swap3A_278, %swap3A_279, %swap3A_280] : memref<25x2x16384xf32, #tpu.memory_space<vmem>>, vector<1x1x16384xf32>
    %swap3A_282 = vector.shape_cast %swap3A_281 : vector<1x1x16384xf32> to vector<16384xf32>
    %swap3A_283 = vector.shape_cast %get3A_277 : vector<16384xf32> to vector<1x1x16384xf32>
    tpu.vector_store %arg3[%swap3A_278, %swap3A_279, %swap3A_280], %swap3A_283 {strides = array<i32>} : memref<25x2x16384xf32, #tpu.memory_space<vmem>>, vector<1x1x16384xf32>,
    %get3A_284 = arith.constant 0 : index
    %get3A_285 = arith.constant 13 : index
    %get3A_286 = arith.constant 0 : index
    %get3A_287 = vector.load %arg1[%get3A_284, %get3A_285, %get3A_286] : memref<1x26x16384xf32, #tpu.memory_space<vmem>>, vector<1x1x16384xf32>
    %get3A_288 = vector.shape_cast %get3A_287 : vector<1x1x16384xf32> to vector<16384xf32>
    %swap3A_289 = arith.constant 13 : index
    %swap3A_290 = arith.constant 0 : index
    %swap3A_291 = arith.constant 0 : index
    %swap3A_292 = vector.load %arg3[%swap3A_289, %swap3A_290, %swap3A_291] : memref<25x2x16384xf32, #tpu.memory_space<vmem>>, vector<1x1x16384xf32>
    %swap3A_293 = vector.shape_cast %swap3A_292 : vector<1x1x16384xf32> to vector<16384xf32>
    %swap3A_294 = vector.shape_cast %get3A_288 : vector<16384xf32> to vector<1x1x16384xf32>
    tpu.vector_store %arg3[%swap3A_289, %swap3A_290, %swap3A_291], %swap3A_294 {strides = array<i32>} : memref<25x2x16384xf32, #tpu.memory_space<vmem>>, vector<1x1x16384xf32>,
    %get3A_295 = arith.constant 0 : index
    %get3A_296 = arith.constant 14 : index
    %get3A_297 = arith.constant 0 : index
    %get3A_298 = vector.load %arg1[%get3A_295, %get3A_296, %get3A_297] : memref<1x26x16384xf32, #tpu.memory_space<vmem>>, vector<1x1x16384xf32>
    %get3A_299 = vector.shape_cast %get3A_298 : vector<1x1x16384xf32> to vector<16384xf32>
    %swap3A_300 = arith.constant 13 : index
    %swap3A_301 = arith.constant 1 : index
    %swap3A_302 = arith.constant 0 : index
    %swap3A_303 = vector.load %arg3[%swap3A_300, %swap3A_301, %swap3A_302] : memref<25x2x16384xf32, #tpu.memory_space<vmem>>, vector<1x1x16384xf32>
    %swap3A_304 = vector.shape_cast %swap3A_303 : vector<1x1x16384xf32> to vector<16384xf32>
    %swap3A_305 = vector.shape_cast %get3A_299 : vector<16384xf32> to vector<1x1x16384xf32>
    tpu.vector_store %arg3[%swap3A_300, %swap3A_301, %swap3A_302], %swap3A_305 {strides = array<i32>} : memref<25x2x16384xf32, #tpu.memory_space<vmem>>, vector<1x1x16384xf32>,
    %get3A_306 = arith.constant 0 : index
    %get3A_307 = arith.constant 14 : index
    %get3A_308 = arith.constant 0 : index
    %get3A_309 = vector.load %arg1[%get3A_306, %get3A_307, %get3A_308] : memref<1x26x16384xf32, #tpu.memory_space<vmem>>, vector<1x1x16384xf32>
    %get3A_310 = vector.shape_cast %get3A_309 : vector<1x1x16384xf32> to vector<16384xf32>
    %swap3A_311 = arith.constant 14 : index
    %swap3A_312 = arith.constant 0 : index
    %swap3A_313 = arith.constant 0 : index
    %swap3A_314 = vector.load %arg3[%swap3A_311, %swap3A_312, %swap3A_313] : memref<25x2x16384xf32, #tpu.memory_space<vmem>>, vector<1x1x16384xf32>
    %swap3A_315 = vector.shape_cast %swap3A_314 : vector<1x1x16384xf32> to vector<16384xf32>
    %swap3A_316 = vector.shape_cast %get3A_310 : vector<16384xf32> to vector<1x1x16384xf32>
    tpu.vector_store %arg3[%swap3A_311, %swap3A_312, %swap3A_313], %swap3A_316 {strides = array<i32>} : memref<25x2x16384xf32, #tpu.memory_space<vmem>>, vector<1x1x16384xf32>,
    %get3A_317 = arith.constant 0 : index
    %get3A_318 = arith.constant 15 : index
    %get3A_319 = arith.constant 0 : index
    %get3A_320 = vector.load %arg1[%get3A_317, %get3A_318, %get3A_319] : memref<1x26x16384xf32, #tpu.memory_space<vmem>>, vector<1x1x16384xf32>
    %get3A_321 = vector.shape_cast %get3A_320 : vector<1x1x16384xf32> to vector<16384xf32>
    %swap3A_322 = arith.constant 14 : index
    %swap3A_323 = arith.constant 1 : index
    %swap3A_324 = arith.constant 0 : index
    %swap3A_325 = vector.load %arg3[%swap3A_322, %swap3A_323, %swap3A_324] : memref<25x2x16384xf32, #tpu.memory_space<vmem>>, vector<1x1x16384xf32>
    %swap3A_326 = vector.shape_cast %swap3A_325 : vector<1x1x16384xf32> to vector<16384xf32>
    %swap3A_327 = vector.shape_cast %get3A_321 : vector<16384xf32> to vector<1x1x16384xf32>
    tpu.vector_store %arg3[%swap3A_322, %swap3A_323, %swap3A_324], %swap3A_327 {strides = array<i32>} : memref<25x2x16384xf32, #tpu.memory_space<vmem>>, vector<1x1x16384xf32>,
    %get3A_328 = arith.constant 0 : index
    %get3A_329 = arith.constant 15 : index
    %get3A_330 = arith.constant 0 : index
    %get3A_331 = vector.load %arg1[%get3A_328, %get3A_329, %get3A_330] : memref<1x26x16384xf32, #tpu.memory_space<vmem>>, vector<1x1x16384xf32>
    %get3A_332 = vector.shape_cast %get3A_331 : vector<1x1x16384xf32> to vector<16384xf32>
    %swap3A_333 = arith.constant 15 : index
    %swap3A_334 = arith.constant 0 : index
    %swap3A_335 = arith.constant 0 : index
    %swap3A_336 = vector.load %arg3[%swap3A_333, %swap3A_334, %swap3A_335] : memref<25x2x16384xf32, #tpu.memory_space<vmem>>, vector<1x1x16384xf32>
    %swap3A_337 = vector.shape_cast %swap3A_336 : vector<1x1x16384xf32> to vector<16384xf32>
    %swap3A_338 = vector.shape_cast %get3A_332 : vector<16384xf32> to vector<1x1x16384xf32>
    tpu.vector_store %arg3[%swap3A_333, %swap3A_334, %swap3A_335], %swap3A_338 {strides = array<i32>} : memref<25x2x16384xf32, #tpu.memory_space<vmem>>, vector<1x1x16384xf32>,
    %get3A_339 = arith.constant 0 : index
    %get3A_340 = arith.constant 16 : index
    %get3A_341 = arith.constant 0 : index
    %get3A_342 = vector.load %arg1[%get3A_339, %get3A_340, %get3A_341] : memref<1x26x16384xf32, #tpu.memory_space<vmem>>, vector<1x1x16384xf32>
    %get3A_343 = vector.shape_cast %get3A_342 : vector<1x1x16384xf32> to vector<16384xf32>
    %swap3A_344 = arith.constant 15 : index
    %swap3A_345 = arith.constant 1 : index
    %swap3A_346 = arith.constant 0 : index
    %swap3A_347 = vector.load %arg3[%swap3A_344, %swap3A_345, %swap3A_346] : memref<25x2x16384xf32, #tpu.memory_space<vmem>>, vector<1x1x16384xf32>
    %swap3A_348 = vector.shape_cast %swap3A_347 : vector<1x1x16384xf32> to vector<16384xf32>
    %swap3A_349 = vector.shape_cast %get3A_343 : vector<16384xf32> to vector<1x1x16384xf32>
    tpu.vector_store %arg3[%swap3A_344, %swap3A_345, %swap3A_346], %swap3A_349 {strides = array<i32>} : memref<25x2x16384xf32, #tpu.memory_space<vmem>>, vector<1x1x16384xf32>,
    %get3A_350 = arith.constant 0 : index
    %get3A_351 = arith.constant 16 : index
    %get3A_352 = arith.constant 0 : index
    %get3A_353 = vector.load %arg1[%get3A_350, %get3A_351, %get3A_352] : memref<1x26x16384xf32, #tpu.memory_space<vmem>>, vector<1x1x16384xf32>
    %get3A_354 = vector.shape_cast %get3A_353 : vector<1x1x16384xf32> to vector<16384xf32>
    %swap3A_355 = arith.constant 16 : index
    %swap3A_356 = arith.constant 0 : index
    %swap3A_357 = arith.constant 0 : index
    %swap3A_358 = vector.load %arg3[%swap3A_355, %swap3A_356, %swap3A_357] : memref<25x2x16384xf32, #tpu.memory_space<vmem>>, vector<1x1x16384xf32>
    %swap3A_359 = vector.shape_cast %swap3A_358 : vector<1x1x16384xf32> to vector<16384xf32>
    %swap3A_360 = vector.shape_cast %get3A_354 : vector<16384xf32> to vector<1x1x16384xf32>
    tpu.vector_store %arg3[%swap3A_355, %swap3A_356, %swap3A_357], %swap3A_360 {strides = array<i32>} : memref<25x2x16384xf32, #tpu.memory_space<vmem>>, vector<1x1x16384xf32>,
    %get3A_361 = arith.constant 0 : index
    %get3A_362 = arith.constant 17 : index
    %get3A_363 = arith.constant 0 : index
    %get3A_364 = vector.load %arg1[%get3A_361, %get3A_362, %get3A_363] : memref<1x26x16384xf32, #tpu.memory_space<vmem>>, vector<1x1x16384xf32>
    %get3A_365 = vector.shape_cast %get3A_364 : vector<1x1x16384xf32> to vector<16384xf32>
    %swap3A_366 = arith.constant 16 : index
    %swap3A_367 = arith.constant 1 : index
    %swap3A_368 = arith.constant 0 : index
    %swap3A_369 = vector.load %arg3[%swap3A_366, %swap3A_367, %swap3A_368] : memref<25x2x16384xf32, #tpu.memory_space<vmem>>, vector<1x1x16384xf32>
    %swap3A_370 = vector.shape_cast %swap3A_369 : vector<1x1x16384xf32> to vector<16384xf32>
    %swap3A_371 = vector.shape_cast %get3A_365 : vector<16384xf32> to vector<1x1x16384xf32>
    tpu.vector_store %arg3[%swap3A_366, %swap3A_367, %swap3A_368], %swap3A_371 {strides = array<i32>} : memref<25x2x16384xf32, #tpu.memory_space<vmem>>, vector<1x1x16384xf32>,
    %get3A_372 = arith.constant 0 : index
    %get3A_373 = arith.constant 17 : index
    %get3A_374 = arith.constant 0 : index
    %get3A_375 = vector.load %arg1[%get3A_372, %get3A_373, %get3A_374] : memref<1x26x16384xf32, #tpu.memory_space<vmem>>, vector<1x1x16384xf32>
    %get3A_376 = vector.shape_cast %get3A_375 : vector<1x1x16384xf32> to vector<16384xf32>
    %swap3A_377 = arith.constant 17 : index
    %swap3A_378 = arith.constant 0 : index
    %swap3A_379 = arith.constant 0 : index
    %swap3A_380 = vector.load %arg3[%swap3A_377, %swap3A_378, %swap3A_379] : memref<25x2x16384xf32, #tpu.memory_space<vmem>>, vector<1x1x16384xf32>
    %swap3A_381 = vector.shape_cast %swap3A_380 : vector<1x1x16384xf32> to vector<16384xf32>
    %swap3A_382 = vector.shape_cast %get3A_376 : vector<16384xf32> to vector<1x1x16384xf32>
    tpu.vector_store %arg3[%swap3A_377, %swap3A_378, %swap3A_379], %swap3A_382 {strides = array<i32>} : memref<25x2x16384xf32, #tpu.memory_space<vmem>>, vector<1x1x16384xf32>,
    %get3A_383 = arith.constant 0 : index
    %get3A_384 = arith.constant 18 : index
    %get3A_385 = arith.constant 0 : index
    %get3A_386 = vector.load %arg1[%get3A_383, %get3A_384, %get3A_385] : memref<1x26x16384xf32, #tpu.memory_space<vmem>>, vector<1x1x16384xf32>
    %get3A_387 = vector.shape_cast %get3A_386 : vector<1x1x16384xf32> to vector<16384xf32>
    %swap3A_388 = arith.constant 17 : index
    %swap3A_389 = arith.constant 1 : index
    %swap3A_390 = arith.constant 0 : index
    %swap3A_391 = vector.load %arg3[%swap3A_388, %swap3A_389, %swap3A_390] : memref<25x2x16384xf32, #tpu.memory_space<vmem>>, vector<1x1x16384xf32>
    %swap3A_392 = vector.shape_cast %swap3A_391 : vector<1x1x16384xf32> to vector<16384xf32>
    %swap3A_393 = vector.shape_cast %get3A_387 : vector<16384xf32> to vector<1x1x16384xf32>
    tpu.vector_store %arg3[%swap3A_388, %swap3A_389, %swap3A_390], %swap3A_393 {strides = array<i32>} : memref<25x2x16384xf32, #tpu.memory_space<vmem>>, vector<1x1x16384xf32>,
    %get3A_394 = arith.constant 0 : index
    %get3A_395 = arith.constant 18 : index
    %get3A_396 = arith.constant 0 : index
    %get3A_397 = vector.load %arg1[%get3A_394, %get3A_395, %get3A_396] : memref<1x26x16384xf32, #tpu.memory_space<vmem>>, vector<1x1x16384xf32>
    %get3A_398 = vector.shape_cast %get3A_397 : vector<1x1x16384xf32> to vector<16384xf32>
    %swap3A_399 = arith.constant 18 : index
    %swap3A_400 = arith.constant 0 : index
    %swap3A_401 = arith.constant 0 : index
    %swap3A_402 = vector.load %arg3[%swap3A_399, %swap3A_400, %swap3A_401] : memref<25x2x16384xf32, #tpu.memory_space<vmem>>, vector<1x1x16384xf32>
    %swap3A_403 = vector.shape_cast %swap3A_402 : vector<1x1x16384xf32> to vector<16384xf32>
    %swap3A_404 = vector.shape_cast %get3A_398 : vector<16384xf32> to vector<1x1x16384xf32>
    tpu.vector_store %arg3[%swap3A_399, %swap3A_400, %swap3A_401], %swap3A_404 {strides = array<i32>} : memref<25x2x16384xf32, #tpu.memory_space<vmem>>, vector<1x1x16384xf32>,
    %get3A_405 = arith.constant 0 : index
    %get3A_406 = arith.constant 19 : index
    %get3A_407 = arith.constant 0 : index
    %get3A_408 = vector.load %arg1[%get3A_405, %get3A_406, %get3A_407] : memref<1x26x16384xf32, #tpu.memory_space<vmem>>, vector<1x1x16384xf32>
    %get3A_409 = vector.shape_cast %get3A_408 : vector<1x1x16384xf32> to vector<16384xf32>
    %swap3A_410 = arith.constant 18 : index
    %swap3A_411 = arith.constant 1 : index
    %swap3A_412 = arith.constant 0 : index
    %swap3A_413 = vector.load %arg3[%swap3A_410, %swap3A_411, %swap3A_412] : memref<25x2x16384xf32, #tpu.memory_space<vmem>>, vector<1x1x16384xf32>
    %swap3A_414 = vector.shape_cast %swap3A_413 : vector<1x1x16384xf32> to vector<16384xf32>
    %swap3A_415 = vector.shape_cast %get3A_409 : vector<16384xf32> to vector<1x1x16384xf32>
    tpu.vector_store %arg3[%swap3A_410, %swap3A_411, %swap3A_412], %swap3A_415 {strides = array<i32>} : memref<25x2x16384xf32, #tpu.memory_space<vmem>>, vector<1x1x16384xf32>,
    %get3A_416 = arith.constant 0 : index
    %get3A_417 = arith.constant 19 : index
    %get3A_418 = arith.constant 0 : index
    %get3A_419 = vector.load %arg1[%get3A_416, %get3A_417, %get3A_418] : memref<1x26x16384xf32, #tpu.memory_space<vmem>>, vector<1x1x16384xf32>
    %get3A_420 = vector.shape_cast %get3A_419 : vector<1x1x16384xf32> to vector<16384xf32>
    %swap3A_421 = arith.constant 19 : index
    %swap3A_422 = arith.constant 0 : index
    %swap3A_423 = arith.constant 0 : index
    %swap3A_424 = vector.load %arg3[%swap3A_421, %swap3A_422, %swap3A_423] : memref<25x2x16384xf32, #tpu.memory_space<vmem>>, vector<1x1x16384xf32>
    %swap3A_425 = vector.shape_cast %swap3A_424 : vector<1x1x16384xf32> to vector<16384xf32>
    %swap3A_426 = vector.shape_cast %get3A_420 : vector<16384xf32> to vector<1x1x16384xf32>
    tpu.vector_store %arg3[%swap3A_421, %swap3A_422, %swap3A_423], %swap3A_426 {strides = array<i32>} : memref<25x2x16384xf32, #tpu.memory_space<vmem>>, vector<1x1x16384xf32>,
    %get3A_427 = arith.constant 0 : index
    %get3A_428 = arith.constant 20 : index
    %get3A_429 = arith.constant 0 : index
    %get3A_430 = vector.load %arg1[%get3A_427, %get3A_428, %get3A_429] : memref<1x26x16384xf32, #tpu.memory_space<vmem>>, vector<1x1x16384xf32>
    %get3A_431 = vector.shape_cast %get3A_430 : vector<1x1x16384xf32> to vector<16384xf32>
    %swap3A_432 = arith.constant 19 : index
    %swap3A_433 = arith.constant 1 : index
    %swap3A_434 = arith.constant 0 : index
    %swap3A_435 = vector.load %arg3[%swap3A_432, %swap3A_433, %swap3A_434] : memref<25x2x16384xf32, #tpu.memory_space<vmem>>, vector<1x1x16384xf32>
    %swap3A_436 = vector.shape_cast %swap3A_435 : vector<1x1x16384xf32> to vector<16384xf32>
    %swap3A_437 = vector.shape_cast %get3A_431 : vector<16384xf32> to vector<1x1x16384xf32>
    tpu.vector_store %arg3[%swap3A_432, %swap3A_433, %swap3A_434], %swap3A_437 {strides = array<i32>} : memref<25x2x16384xf32, #tpu.memory_space<vmem>>, vector<1x1x16384xf32>,
    %get3A_438 = arith.constant 0 : index
    %get3A_439 = arith.constant 20 : index
    %get3A_440 = arith.constant 0 : index
    %get3A_441 = vector.load %arg1[%get3A_438, %get3A_439, %get3A_440] : memref<1x26x16384xf32, #tpu.memory_space<vmem>>, vector<1x1x16384xf32>
    %get3A_442 = vector.shape_cast %get3A_441 : vector<1x1x16384xf32> to vector<16384xf32>
    %swap3A_443 = arith.constant 20 : index
    %swap3A_444 = arith.constant 0 : index
    %swap3A_445 = arith.constant 0 : index
    %swap3A_446 = vector.load %arg3[%swap3A_443, %swap3A_444, %swap3A_445] : memref<25x2x16384xf32, #tpu.memory_space<vmem>>, vector<1x1x16384xf32>
    %swap3A_447 = vector.shape_cast %swap3A_446 : vector<1x1x16384xf32> to vector<16384xf32>
    %swap3A_448 = vector.shape_cast %get3A_442 : vector<16384xf32> to vector<1x1x16384xf32>
    tpu.vector_store %arg3[%swap3A_443, %swap3A_444, %swap3A_445], %swap3A_448 {strides = array<i32>} : memref<25x2x16384xf32, #tpu.memory_space<vmem>>, vector<1x1x16384xf32>,
    %get3A_449 = arith.constant 0 : index
    %get3A_450 = arith.constant 21 : index
    %get3A_451 = arith.constant 0 : index
    %get3A_452 = vector.load %arg1[%get3A_449, %get3A_450, %get3A_451] : memref<1x26x16384xf32, #tpu.memory_space<vmem>>, vector<1x1x16384xf32>
    %get3A_453 = vector.shape_cast %get3A_452 : vector<1x1x16384xf32> to vector<16384xf32>
    %swap3A_454 = arith.constant 20 : index
    %swap3A_455 = arith.constant 1 : index
    %swap3A_456 = arith.constant 0 : index
    %swap3A_457 = vector.load %arg3[%swap3A_454, %swap3A_455, %swap3A_456] : memref<25x2x16384xf32, #tpu.memory_space<vmem>>, vector<1x1x16384xf32>
    %swap3A_458 = vector.shape_cast %swap3A_457 : vector<1x1x16384xf32> to vector<16384xf32>
    %swap3A_459 = vector.shape_cast %get3A_453 : vector<16384xf32> to vector<1x1x16384xf32>
    tpu.vector_store %arg3[%swap3A_454, %swap3A_455, %swap3A_456], %swap3A_459 {strides = array<i32>} : memref<25x2x16384xf32, #tpu.memory_space<vmem>>, vector<1x1x16384xf32>,
    %get3A_460 = arith.constant 0 : index
    %get3A_461 = arith.constant 21 : index
    %get3A_462 = arith.constant 0 : index
    %get3A_463 = vector.load %arg1[%get3A_460, %get3A_461, %get3A_462] : memref<1x26x16384xf32, #tpu.memory_space<vmem>>, vector<1x1x16384xf32>
    %get3A_464 = vector.shape_cast %get3A_463 : vector<1x1x16384xf32> to vector<16384xf32>
    %swap3A_465 = arith.constant 21 : index
    %swap3A_466 = arith.constant 0 : index
    %swap3A_467 = arith.constant 0 : index
    %swap3A_468 = vector.load %arg3[%swap3A_465, %swap3A_466, %swap3A_467] : memref<25x2x16384xf32, #tpu.memory_space<vmem>>, vector<1x1x16384xf32>
    %swap3A_469 = vector.shape_cast %swap3A_468 : vector<1x1x16384xf32> to vector<16384xf32>
    %swap3A_470 = vector.shape_cast %get3A_464 : vector<16384xf32> to vector<1x1x16384xf32>
    tpu.vector_store %arg3[%swap3A_465, %swap3A_466, %swap3A_467], %swap3A_470 {strides = array<i32>} : memref<25x2x16384xf32, #tpu.memory_space<vmem>>, vector<1x1x16384xf32>,
    %get3A_471 = arith.constant 0 : index
    %get3A_472 = arith.constant 22 : index
    %get3A_473 = arith.constant 0 : index
    %get3A_474 = vector.load %arg1[%get3A_471, %get3A_472, %get3A_473] : memref<1x26x16384xf32, #tpu.memory_space<vmem>>, vector<1x1x16384xf32>
    %get3A_475 = vector.shape_cast %get3A_474 : vector<1x1x16384xf32> to vector<16384xf32>
    %swap3A_476 = arith.constant 21 : index
    %swap3A_477 = arith.constant 1 : index
    %swap3A_478 = arith.constant 0 : index
    %swap3A_479 = vector.load %arg3[%swap3A_476, %swap3A_477, %swap3A_478] : memref<25x2x16384xf32, #tpu.memory_space<vmem>>, vector<1x1x16384xf32>
    %swap3A_480 = vector.shape_cast %swap3A_479 : vector<1x1x16384xf32> to vector<16384xf32>
    %swap3A_481 = vector.shape_cast %get3A_475 : vector<16384xf32> to vector<1x1x16384xf32>
    tpu.vector_store %arg3[%swap3A_476, %swap3A_477, %swap3A_478], %swap3A_481 {strides = array<i32>} : memref<25x2x16384xf32, #tpu.memory_space<vmem>>, vector<1x1x16384xf32>,
    %get3A_482 = arith.constant 0 : index
    %get3A_483 = arith.constant 22 : index
    %get3A_484 = arith.constant 0 : index
    %get3A_485 = vector.load %arg1[%get3A_482, %get3A_483, %get3A_484] : memref<1x26x16384xf32, #tpu.memory_space<vmem>>, vector<1x1x16384xf32>
    %get3A_486 = vector.shape_cast %get3A_485 : vector<1x1x16384xf32> to vector<16384xf32>
    %swap3A_487 = arith.constant 22 : index
    %swap3A_488 = arith.constant 0 : index
    %swap3A_489 = arith.constant 0 : index
    %swap3A_490 = vector.load %arg3[%swap3A_487, %swap3A_488, %swap3A_489] : memref<25x2x16384xf32, #tpu.memory_space<vmem>>, vector<1x1x16384xf32>
    %swap3A_491 = vector.shape_cast %swap3A_490 : vector<1x1x16384xf32> to vector<16384xf32>
    %swap3A_492 = vector.shape_cast %get3A_486 : vector<16384xf32> to vector<1x1x16384xf32>
    tpu.vector_store %arg3[%swap3A_487, %swap3A_488, %swap3A_489], %swap3A_492 {strides = array<i32>} : memref<25x2x16384xf32, #tpu.memory_space<vmem>>, vector<1x1x16384xf32>,
    %get3A_493 = arith.constant 0 : index
    %get3A_494 = arith.constant 23 : index
    %get3A_495 = arith.constant 0 : index
    %get3A_496 = vector.load %arg1[%get3A_493, %get3A_494, %get3A_495] : memref<1x26x16384xf32, #tpu.memory_space<vmem>>, vector<1x1x16384xf32>
    %get3A_497 = vector.shape_cast %get3A_496 : vector<1x1x16384xf32> to vector<16384xf32>
    %swap3A_498 = arith.constant 22 : index
    %swap3A_499 = arith.constant 1 : index
    %swap3A_500 = arith.constant 0 : index
    %swap3A_501 = vector.load %arg3[%swap3A_498, %swap3A_499, %swap3A_500] : memref<25x2x16384xf32, #tpu.memory_space<vmem>>, vector<1x1x16384xf32>
    %swap3A_502 = vector.shape_cast %swap3A_501 : vector<1x1x16384xf32> to vector<16384xf32>
    %swap3A_503 = vector.shape_cast %get3A_497 : vector<16384xf32> to vector<1x1x16384xf32>
    tpu.vector_store %arg3[%swap3A_498, %swap3A_499, %swap3A_500], %swap3A_503 {strides = array<i32>} : memref<25x2x16384xf32, #tpu.memory_space<vmem>>, vector<1x1x16384xf32>,
    %get3A_504 = arith.constant 0 : index
    %get3A_505 = arith.constant 23 : index
    %get3A_506 = arith.constant 0 : index
    %get3A_507 = vector.load %arg1[%get3A_504, %get3A_505, %get3A_506] : memref<1x26x16384xf32, #tpu.memory_space<vmem>>, vector<1x1x16384xf32>
    %get3A_508 = vector.shape_cast %get3A_507 : vector<1x1x16384xf32> to vector<16384xf32>
    %swap3A_509 = arith.constant 23 : index
    %swap3A_510 = arith.constant 0 : index
    %swap3A_511 = arith.constant 0 : index
    %swap3A_512 = vector.load %arg3[%swap3A_509, %swap3A_510, %swap3A_511] : memref<25x2x16384xf32, #tpu.memory_space<vmem>>, vector<1x1x16384xf32>
    %swap3A_513 = vector.shape_cast %swap3A_512 : vector<1x1x16384xf32> to vector<16384xf32>
    %swap3A_514 = vector.shape_cast %get3A_508 : vector<16384xf32> to vector<1x1x16384xf32>
    tpu.vector_store %arg3[%swap3A_509, %swap3A_510, %swap3A_511], %swap3A_514 {strides = array<i32>} : memref<25x2x16384xf32, #tpu.memory_space<vmem>>, vector<1x1x16384xf32>,
    %get3A_515 = arith.constant 0 : index
    %get3A_516 = arith.constant 24 : index
    %get3A_517 = arith.constant 0 : index
    %get3A_518 = vector.load %arg1[%get3A_515, %get3A_516, %get3A_517] : memref<1x26x16384xf32, #tpu.memory_space<vmem>>, vector<1x1x16384xf32>
    %get3A_519 = vector.shape_cast %get3A_518 : vector<1x1x16384xf32> to vector<16384xf32>
    %swap3A_520 = arith.constant 23 : index
    %swap3A_521 = arith.constant 1 : index
    %swap3A_522 = arith.constant 0 : index
    %swap3A_523 = vector.load %arg3[%swap3A_520, %swap3A_521, %swap3A_522] : memref<25x2x16384xf32, #tpu.memory_space<vmem>>, vector<1x1x16384xf32>
    %swap3A_524 = vector.shape_cast %swap3A_523 : vector<1x1x16384xf32> to vector<16384xf32>
    %swap3A_525 = vector.shape_cast %get3A_519 : vector<16384xf32> to vector<1x1x16384xf32>
    tpu.vector_store %arg3[%swap3A_520, %swap3A_521, %swap3A_522], %swap3A_525 {strides = array<i32>} : memref<25x2x16384xf32, #tpu.memory_space<vmem>>, vector<1x1x16384xf32>,
    %get3A_526 = arith.constant 0 : index
    %get3A_527 = arith.constant 24 : index
    %get3A_528 = arith.constant 0 : index
    %get3A_529 = vector.load %arg1[%get3A_526, %get3A_527, %get3A_528] : memref<1x26x16384xf32, #tpu.memory_space<vmem>>, vector<1x1x16384xf32>
    %get3A_530 = vector.shape_cast %get3A_529 : vector<1x1x16384xf32> to vector<16384xf32>
    %swap3A_531 = arith.constant 24 : index
    %swap3A_532 = arith.constant 0 : index
    %swap3A_533 = arith.constant 0 : index
    %swap3A_534 = vector.load %arg3[%swap3A_531, %swap3A_532, %swap3A_533] : memref<25x2x16384xf32, #tpu.memory_space<vmem>>, vector<1x1x16384xf32>
    %swap3A_535 = vector.shape_cast %swap3A_534 : vector<1x1x16384xf32> to vector<16384xf32>
    %swap3A_536 = vector.shape_cast %get3A_530 : vector<16384xf32> to vector<1x1x16384xf32>
    tpu.vector_store %arg3[%swap3A_531, %swap3A_532, %swap3A_533], %swap3A_536 {strides = array<i32>} : memref<25x2x16384xf32, #tpu.memory_space<vmem>>, vector<1x1x16384xf32>,
    %get3A_537 = arith.constant 0 : index
    %get3A_538 = arith.constant 25 : index
    %get3A_539 = arith.constant 0 : index
    %get3A_540 = vector.load %arg1[%get3A_537, %get3A_538, %get3A_539] : memref<1x26x16384xf32, #tpu.memory_space<vmem>>, vector<1x1x16384xf32>
    %get3A_541 = vector.shape_cast %get3A_540 : vector<1x1x16384xf32> to vector<16384xf32>
    %swap3A_542 = arith.constant 24 : index
    %swap3A_543 = arith.constant 1 : index
    %swap3A_544 = arith.constant 0 : index
    %swap3A_545 = vector.load %arg3[%swap3A_542, %swap3A_543, %swap3A_544] : memref<25x2x16384xf32, #tpu.memory_space<vmem>>, vector<1x1x16384xf32>
    %swap3A_546 = vector.shape_cast %swap3A_545 : vector<1x1x16384xf32> to vector<16384xf32>
    %swap3A_547 = vector.shape_cast %get3A_541 : vector<16384xf32> to vector<1x1x16384xf32>
    tpu.vector_store %arg3[%swap3A_542, %swap3A_543, %swap3A_544], %swap3A_547 {strides = array<i32>} : memref<25x2x16384xf32, #tpu.memory_space<vmem>>, vector<1x1x16384xf32>,
    %dma_start3A = arith.constant 0 : i32
    %dma_start3A_548 = arith.constant 128 : i32
    %dma_start3A_549 = arith.constant 0 : i32
    %dma_start3A_550 = tpu.memref_slice %arg2[%dma_start3A, %dma_start3A_548, %dma_start3A_549] : memref<25x130x16384xf32, #tpu.memory_space<any>> -> memref<25x2x16384xf32, #tpu.memory_space<any>>
    tpu.enqueue_dma source(%arg3 : memref<25x2x16384xf32, #tpu.memory_space<vmem>>) target(%dma_start3A_550 : memref<25x2x16384xf32, #tpu.memory_space<any>>) target_semaphore(%arg4 : memref<!tpu.dma_semaphore, #tpu.memory_space<semaphore_mem>>)
    %dma_wait3A = arith.constant 0 : i32
    %dma_wait3A_551 = arith.constant 128 : i32
    %dma_wait3A_552 = arith.constant 0 : i32
    %dma_wait3A_553 = tpu.memref_slice %arg2[%dma_wait3A, %dma_wait3A_551, %dma_wait3A_552] : memref<25x130x16384xf32, #tpu.memory_space<any>> -> memref<25x2x16384xf32, #tpu.memory_space<any>>
    tpu.wait_dma2 semaphore(%arg4 : memref<!tpu.dma_semaphore, #tpu.memory_space<semaphore_mem>>) src(%arg3 : memref<25x2x16384xf32, #tpu.memory_space<vmem>>) dst(%dma_wait3A_553 : memref<25x2x16384xf32, #tpu.memory_space<any>>)
    return
  }
}

</mosaic_0001>

<sc_bundles>
// kernel: kernel.4.cloned.1.call-start
scs
__scs_entry_jumppad:
0x0: {  	(pc) =	sbr.rel $0x88, $3  }
0x1: {  	(tag) =	ssettag $0x0;
	lr =	simm.s32 $0x1  }
0x2: {  	[smem:$0x3F9F] =	sst lr;
	_ =	strace $0xD0000000  }
0x3: {  	_ = 	snop  }
0x4: {  	_ = 	snop  }
0x5: {  	_ = 	snop  }
0x6: {  	_ = 	snop  }
0x7: {  	_ = 	snop  }
__scs_overlays_trampoline_lowered:
0x8: {  	[smem:$0x3FAE] =	sst s0  }
0x9: {  	[smem:$0x3FAF] =	sst s1  }
0xa: {  	[smem:$0x3FB0] =	sst s2  }
0xb: {  	[smem:$0x3FB1] =	sst s3  }
0xc: {  	[smem:$0x3FB2] =	sst s4  }
0xd: {  	[smem:$0x3FB3] =	sst s5  }
0xe: {  	[smem:$0x3FB4] =	sst s6  }
0xf: {  	[smem:$0x3FB5] =	sst s7  }
0x10: {  	[smem:$0x3FB6] =	sst s8  }
0x11: {  	[smem:$0x3FB7] =	sst s9;
	s0 =	simm.s32 @!p0 $0x0  }
0x12: {  	s1 =	sld [smem:$0x3F9D];
	s0 =	simm.s32 @p0 $0x1  }
0x13: {  	[smem:$0x3FB8] =	sst s0;
	s0 =	simm.s32 @!p1 $0x0  }
0x14: {  	s2 =	sld [smem:$0x3F9C];
	s0 =	simm.s32 @p1 $0x1  }
0x15: {  	[smem:$0x3FB9] =	sst s0;
	s0 =	simm.s32 @!p2 $0x0  }
0x16: {  	s3 =	sld [smem:$0x3FDB];
	s0 =	simm.s32 @p2 $0x1  }
0x17: {  	s4 =	simm.s32 $0x1BF5;
	[smem:$0x3FBB] =	sst s0  }
0x18: {  	s0 =	sld [smem:$0x3F9E];
	_ =	swait.ge [sflag:s4], $0x0  }
0x19: {  	s7 =	sld [smem:$0x3F9F]  }
0x1a: {  	s8 =	sadd.s32 $0xFFFFE003, lr  }
0x1b: {  	s9 =	sadd.s32 $0xFFFFFEF7, lr;
	s5 =	simm.s32 $0xFFFFFFFF;
	p2 =	slt.u32 s8, $0xFFFFF086  }
0x1c: {  	p1 =	slt.u32 s9, $0xF7A;
	s5 =	simm.s32 @!p2 $0x0  }
0x1d: {  	s5 =	simm.s32 @p1 $0x1;
	p0 =	seq.s32 s7, s2  }
0x1e: {  	s7 =	smul.u32 @!p0 $0xF7A, s2;
	p2 =	seq.s32 @!p0 s5, $0x0  }
0x1f: {  	s9 =	smul.u32 $0xF7A, s1;
	s8 =	simm.s32 @!p0 $0x1BF5;
	p2 =	por !p2, p0  }
0x20: {  	[sflag:s8] =	ssyncset.s32 @!p0 $0xFFFFF086;
	s6 =	sadd.s32 @!p0 s3, s7;
	s7 =	simm.s32 @!p0 $0x108  }
0x21: {  	s3 =	sadd.s32 s3, s9;
	s6 =	sadd.s32 @!p0 $0x88, s6;
	s7 =	simm.s32 @p2 $0x1082  }
0x22: {  	[simem:s7], [sflag:s8] =	dma.local @!p0 [hbm:s6], $0xF7A  }
0x23: {  	s9 =	sor.u32 $0xD0000000, s2;
	s6 =	simm.s32 $0x108;
	_ =	swait.ge @!p0 [sflag:s8], $0x0  }
0x24: {  	s3 =	sadd.s32 $0x88, s3;
	s6 =	simm.s32 @!p1 $0x1082;
	[sflag:s4] =	ssyncset.s32 $0xFFFFF086  }
0x25: {  	[simem:s6], [sflag:s4] =	dma.local [hbm:s3], $0xF7A  }
0x26: {  	[smem:$0x3F9F] =	sst s1;
	(tag) =	ssettag s2;
	_ =	strace s9  }
0x27: {  	s1 =	sld [smem:$0x3FAF]  }
0x28: {  	s2 =	sld [smem:$0x3FB0]  }
0x29: {  	s4 =	sld [smem:$0x3FB2]  }
0x2a: {  	p0 =	seq.s32 s5, $0x0;
	s5 =	sld [smem:$0x3FB3]  }
0x2b: {  	s6 =	sld [smem:$0x3FB4]  }
0x2c: {  	s7 =	sld [smem:$0x3FB5]  }
0x2d: {  	s3 =	simm.s32 $0x108;
	s8 =	sld [smem:$0x3FB6]  }
0x2e: {  	s3 =	simm.s32 @!p0 $0x1082;
	s9 =	sld [smem:$0x3FB7]  }
0x2f: {  	lr =	sadd.s32 s0, s3;
	s0 =	sld [smem:$0x3FAE]  }
0x30: {  	s3 =	sld [smem:$0x3FB1]  }
0x31: {  	[smem:$0x3FBA] =	sst s10  }
0x32: {  	s10 =	sld [smem:$0x3FB8];
	_ =	sdelay $0x3  }
0x33: {  	p0 =	seq.s32 s10, $0x1;
	s10 =	sld [smem:$0x3FBA];
	_ =	sdelay $0x3  }
0x34: {  	[smem:$0x3FBA] =	sst s10  }
0x35: {  	s10 =	sld [smem:$0x3FB9];
	_ =	sdelay $0x3  }
0x36: {  	p1 =	seq.s32 s10, $0x1;
	s10 =	sld [smem:$0x3FBA];
	_ =	sdelay $0x3  }
0x37: {  	[smem:$0x3FBA] =	sst s10  }
0x38: {  	s10 =	sld [smem:$0x3FBB]  }
0x39: {  	_ = 	snop;
	(pc) =	sbr.ind lr, $3  }
0x3a: {  	_ = 	snop  }
0x3b: {  	_ = 	snop  }
0x3c: {  	p2 =	seq.s32 s10, $0x1;
	s10 =	sld [smem:$0x3FBA]  }
0x3d: {  	_ =	shalt  }
0x3e: {  	_ =	shalt  }
0x3f: {  	_ =	shalt  }
0x40: {  	_ =	shalt  }
0x41: {  	_ =	shalt  }
0x42: {  	_ =	shalt  }
0x43: {  	_ =	shalt  }
0x44: {  	_ =	shalt  }
0x45: {  	_ =	shalt  }
0x46: {  	_ =	shalt  }
0x47: {  	_ =	shalt  }
0x48: {  	_ =	shalt  }
0x49: {  	_ =	shalt  }
0x4a: {  	_ =	shalt  }
0x4b: {  	_ =	shalt  }
0x4c: {  	_ =	shalt  }
0x4d: {  	_ =	shalt  }
0x4e: {  	_ =	shalt  }
0x4f: {  	_ =	shalt  }
0x50: {  	_ =	shalt  }
0x51: {  	_ =	shalt  }
0x52: {  	_ =	shalt  }
0x53: {  	_ =	shalt  }
0x54: {  	_ =	shalt  }
0x55: {  	_ =	shalt  }
0x56: {  	_ =	shalt  }
0x57: {  	_ =	shalt  }
0x58: {  	_ =	shalt  }
0x59: {  	_ =	shalt  }
0x5a: {  	_ =	shalt  }
0x5b: {  	_ =	shalt  }
0x5c: {  	_ =	shalt  }
0x5d: {  	_ =	shalt  }
0x5e: {  	_ =	shalt  }
0x5f: {  	_ =	shalt  }
0x60: {  	_ =	shalt  }
0x61: {  	_ =	shalt  }
0x62: {  	_ =	shalt  }
0x63: {  	_ =	shalt  }
0x64: {  	_ =	shalt  }
0x65: {  	_ =	shalt  }
0x66: {  	_ =	shalt  }
0x67: {  	_ =	shalt  }
0x68: {  	_ =	shalt  }
0x69: {  	_ =	shalt  }
0x6a: {  	_ =	shalt  }
0x6b: {  	_ =	shalt  }
0x6c: {  	_ =	shalt  }
0x6d: {  	_ =	shalt  }
0x6e: {  	_ =	shalt  }
0x6f: {  	_ =	shalt  }
0x70: {  	_ =	shalt  }
0x71: {  	_ =	shalt  }
0x72: {  	_ =	shalt  }
0x73: {  	_ =	shalt  }
0x74: {  	_ =	shalt  }
0x75: {  	_ =	shalt  }
0x76: {  	_ =	shalt  }
0x77: {  	_ =	shalt  }
0x78: {  	_ =	shalt  }
0x79: {  	_ =	shalt  }
0x7a: {  	_ =	shalt  }
0x7b: {  	_ =	shalt  }
0x7c: {  	_ =	shalt  }
0x7d: {  	_ =	shalt  }
0x7e: {  	_ =	shalt  }
0x7f: {  	_ =	shalt  }
0x80: {  	_ =	shalt  }
0x81: {  	_ =	shalt  }
0x82: {  	_ =	shalt  }
0x83: {  	_ =	shalt  }
0x84: {  	_ =	shalt  }
0x85: {  	_ =	shalt  }
0x86: {  	_ =	shalt  }
0x87: {  	_ =	shalt  }
.Lfunc_end0:
.L_simem_size_0:
called_computation_lowered:
.L_overlay_start_0:
0x88: {  	s2 =	sld [smem:$0x3FD9]  }
0x89: {  	s3 =	sld [smem:$0x3FFE];
	_ =	sdelay $0x1  }
0x8a: {  	s1 =	srdreg.scid  }
0x8b: {  	s0 =	sand.u32 $0x1, s1  }
0x8c: {  	s17 =	sshll.u32 s0, $0xA;
	s2 =	sadd.s32 s3, s2  }
0x8d: {  	s2 =	sadd.s32 s2, s17  }
0x8e: {  	[smem:$0x3FC6] =	sst s2  }
0x8f: {  	_ = 	snop  }
0x90: {  	s2 =	sld [smem:$0x3FD0];
	(tm) =	ssettm $0x1  }
0x91: {  	s18 =	sld [smem:$0x3FFB];
	_ =	sdelay $0x3  }
0x92: {  	_ =	strace s18  }
0x93: {  	s3 =	sld [smem:$0x3FFC];
	_ =	sdelay $0x3  }
0x94: {  	_ =	strace s3  }
0x95: {  	s3 =	sld [smem:$0x3FFD];
	_ =	sdelay $0x3  }
0x96: {  	_ =	strace s3  }
0x97: {  	_ =	strace $0x8FFFFFFF  }
0x98: {  	s19 =	sld [smem:$0x3FDB];
	_ =	sdelay $0x1  }
0x99: {  	s4 =	simm.s32 $_scs_section_size  }
0x9a: {  	s5 =	simm.s32 $_size__tile_overlayer_lowered;
	s6 =	simm.s32 $_tile_overlayer_lowered  }
0x9b: {  	s22 =	simm.s32 $0x1BFF;
	s21 =	sshll.u32 s6, $0x1;
	s3 =	sadd.s32 s4, s19  }
0x9c: {  	s7 =	simm.s32 $0x0;
	s20 =	sshll.u32 s5, $0x1;
	s5 =	sadd.s32 s21, s3  }
0x9d: {  	[timem:s7], [sflag:s22] =	dma.local [hbm:s5], s20  }
0x9e: {  	_ =	swait.ge [sflag:s22], s20  }
0x9f: {  	s4 =	ssub.s32 $0x0, s20;
	[sflag:s22] =	ssyncset.done $0x0  }
0xa0: {  	[sflag:s22] =	ssyncadd.s32 s4;
	_ =	sdelay $0x1  }
0xa1: {  	s23 =	simm.s32 $0x1B8B  }
0xa2: {  	_ =	swait.ge [sflag:s23], $0x1  }
0xa3: {  	[sflag:s23] =	ssyncset.done $0x0  }
0xa4: {  	s25 =	simm.s32 $0x1B8E;
	s24 =	sld [smem:$0x3FFE];
	[sflag:s23] =	ssyncadd.s32 $0xFFFFFFFF  }
0xa5: {  	s26 =	simm.s32 $execute0_lowered;
	[smem:$0x3FD2] =	sst s25  }
0xa6: {  	s5 =	sshll.u32 s26, $0x1;
	_ =	strace $0x80000046;
	[dreg:$0x1] =	wrdreg $0xFFFFFFFF  }
0xa7: {  	s28 =	simm.s32 $_size_execute0_lowered;
	s3 =	sadd.s32 s3, s5;
	[dreg:$0x0] =	wrdreg $0x0  }
0xa8: {  	s5 =	sshll.u32 s28, $0x1;
	[dreg:$0x2] =	wrdreg s3  }
0xa9: {  	[dreg:$0x3] =	wrdreg s5  }
0xaa: {  	[dreg:$0x4] =	wrdreg $0xC0  }
0xab: {  	_ =	task [dreg:s7], $0x5FFFF  }
0xac: {  	[dreg:$0x1] =	wrdreg $0xFFFFFFFF  }
0xad: {  	[dreg:$0x0] =	wrdreg $0x60  }
0xae: {  	[dreg:$0x2] =	wrdreg s24  }
0xaf: {  	[dreg:$0x3] =	wrdreg s2  }
0xb0: {  	[dreg:$0x4] =	wrdreg $0x9  }
0xb1: {  	_ =	task.clear_ibuf [dreg:s7], $0x5FFFF;
	_ =	strace $0x90000046  }
0xb2: {  	s29 =	simm.s32 $0x9;
	_ =	strace $0x80000048  }
0xb3: {  	_ =	swait.ge [sflag:s29], $0x1  }
0xb4: {  	[sflag:s29] =	ssyncadd.s32 $0xFFFFFFFF  }
0xb5: {  	_ =	strace $0x90000048  }
0xb6: {  	_ =	sfence  }
0xb7: {  	s30 =	sld [smem:$0x0];
	_ =	sdelay $0x2  }
0xb8: {  	s31 =	sshll.u32 s1, $0xD;
	s1 =	sshrl.u32 s1, $0x2  }
0xb9: {  	s3 =	sand.u32 $0x4000, s31;
	s1 =	sadd.s32 s1, s30  }
0xba: {  	s0 =	sor.u32 s3, s0;
	s1 =	sshll.u32 s1, $0x11  }
0xbb: {  	s0 =	sor.u32 s1, s0  }
0xbc: {  	s0 =	sadd.s32 $0x8F2B, s0  }
0xbd: {  	[sflag:s0] =	ssyncadd.remote.s32 $0x1  }
0xbe: {  	_ =	sfence.sel $0xFFFF  }
0xbf: {  	[dreg:$0x0] =	wrdreg $0xFFFFFFFF;
	(pc) =	sbr.abs _section_cstart, $3  }
0xc0: {  	[dreg:$0x1] =	wrdreg $0xFFFFFFFF  }
0xc1: {  	_ =	task.clear_ibuf [dreg:s7], $0x2FFFF;
	_ =	strace $0x9FFFFFFF  }
0xc2: {  	(tm) =	ssettm $0x7FFFFFFF  }
0xc3: {  	_ =	shalt  }
tec
execute0_lowered:
.L_overlay_start_1:
0x0: {  	(tag) =	ssettag $0x1  }
0x1: {  	s0 =	rddreg [dreg:$0x0]  }
0x2: {  	s1 =	rddreg [dreg:$0x1]  }
0x3: {  	s2 =	srdreg.scid;
	s4 =	stileid.u32;
	s3 =	simm.s32 $0x0  }
0x4: {  	p0 =	por $0x0, $0x0;
	s29 =	simm.s32 $0x1000;
	s30 =	simm.s32 $0x20000  }
0x5: {  	s31 =	simm.s32 $0x1;
	s2 =	sand.u32 $0x1, s2;
	s4 =	sshll.u32 s4, $0xA  }
0x6: {  	[smem:$0x7FF] =	sst s3;
	s5 =	sshll.u32 s2, $0x9;
	s2 =	ssub.s32 $0x2, s2  }
0x7: {  	_ =	strace $0x80000047;
	s4 =	sor.u32 s5, s4;
	s23 =	sshrl.u32 s2, $0x1  }
0x8: {  	s0 =	sadd.s32 s4, s0;
	s4 =	sadd.s32 s1, s4;
	s24 =	ssub.s32 s2, s23  }
0x9: {  	s2 =	simm.s32 $0x2;
	s0 =	sadd.s32 $0x600, s0;
	s25 =	sadd.s32 $0x44000, s4  }
0xa: {  	s5 =	sadd.s32 $0x88000, s4;
	s6 =	sadd.s32 $0xCC000, s4;
	s7 =	sadd.s32 $0x110000, s4  }
0xb: {  	s8 =	sadd.s32 $0x154000, s4;
	s9 =	sadd.s32 $0x198000, s4;
	s10 =	sadd.s32 $0x1DC000, s4  }
0xc: {  	s11 =	sadd.s32 $0x220000, s4;
	s12 =	sadd.s32 $0x264000, s4;
	s13 =	sadd.s32 $0x2A8000, s4  }
0xd: {  	s14 =	sadd.s32 $0x2EC000, s4;
	s15 =	sadd.s32 $0x330000, s4;
	s26 =	smax.u32 s24, $0x1  }
0xe: {  	s16 =	sadd.s32 $0x374000, s4;
	s17 =	sadd.s32 $0x3B8000, s4;
	p1 =	sne.s32 s26, $0x1  }
.Ltmp0:
0xf: {  	s18 =	sadd.s32 $0x3FC000, s4;
	s19 =	sadd.s32 $0x440000, s4;
	(pc) =	sbr.rel @!p1 .LBB2_3-.Ltmp0, $4  }
0x10: {  	s20 =	sadd.s32 $0x484000, s4;
	s21 =	sadd.s32 $0x4C8000, s4;
	s22 =	sadd.s32 $0x50C000, s4  }
0x11: {  	s23 =	sadd.s32 $0x550000, s4;
	s24 =	sadd.s32 $0x594000, s4;
	[dreg:$0x3] =	wrdreg s0  }
0x12: {  	s28 =	sadd.s32 $0x660000, s4;
	[dreg:$0x4] =	wrdreg s25;
	s25 =	sadd.s32 $0x5D8000, s4  }
0x13: {  	s0 =	sadd.s32 $0xFFFFFFFF, s26;
	s26 =	sadd.s32 $0x61C000, s4;
	s1 =	rddreg [dreg:$0x3]  }
0x14: {  	[tilespmem:s3], [sflag:$0x1] =	stream.strided.gather [hbm4b:s1+s29], $0x10000, s30, s29, $0x38;
	[tilespmem:$0x10000] =	vst v63  }
0x15: {  	_ =	swait.ge [sflag:s31], $0x10000  }
0x16: {  	[sflag:s31] =	ssyncset.done $0x0  }
0x17: {  	[sflag:s31] =	ssyncadd.s32 $0xFFFF0000  }
0x18: {  	[hbm4b:s4+s29] =	stream.strided.scatter [tilespmem:s3], [sflag:$0x2], $0x10000, s30, s29, $0x38;
	[tilespmem:$0x10000] =	vst v63  }
0x19: {  	s1 =	rddreg [dreg:$0x4]  }
0x1a: {  	[hbm4b:s1+s29] =	stream.strided.scatter [tilespmem:s3], [sflag:$0x2], $0x10000, s30, s29, $0x38;
	[tilespmem:$0x10000] =	vst v63  }
0x1b: {  	_ = 	snop  }
0x1c: {  	[hbm4b:s5+s29] =	stream.strided.scatter [tilespmem:s3], [sflag:$0x2], $0x10000, s30, s29, $0x38;
	[tilespmem:$0x10000] =	vst v63  }
0x1d: {  	_ = 	snop  }
0x1e: {  	[hbm4b:s6+s29] =	stream.strided.scatter [tilespmem:s3], [sflag:$0x2], $0x10000, s30, s29, $0x38;
	[tilespmem:$0x10000] =	vst v63  }
0x1f: {  	_ = 	snop  }
0x20: {  	[hbm4b:s7+s29] =	stream.strided.scatter [tilespmem:s3], [sflag:$0x2], $0x10000, s30, s29, $0x38;
	[tilespmem:$0x10000] =	vst v63  }
0x21: {  	_ = 	snop  }
0x22: {  	[hbm4b:s8+s29] =	stream.strided.scatter [tilespmem:s3], [sflag:$0x2], $0x10000, s30, s29, $0x38;
	[tilespmem:$0x10000] =	vst v63  }
0x23: {  	_ = 	snop  }
0x24: {  	[hbm4b:s9+s29] =	stream.strided.scatter [tilespmem:s3], [sflag:$0x2], $0x10000, s30, s29, $0x38;
	[tilespmem:$0x10000] =	vst v63  }
0x25: {  	_ = 	snop  }
0x26: {  	[hbm4b:s10+s29] =	stream.strided.scatter [tilespmem:s3], [sflag:$0x2], $0x10000, s30, s29, $0x38;
	[tilespmem:$0x10000] =	vst v63  }
0x27: {  	_ = 	snop  }
0x28: {  	[hbm4b:s11+s29] =	stream.strided.scatter [tilespmem:s3], [sflag:$0x2], $0x10000, s30, s29, $0x38;
	[tilespmem:$0x10000] =	vst v63  }
0x29: {  	_ = 	snop  }
0x2a: {  	[hbm4b:s12+s29] =	stream.strided.scatter [tilespmem:s3], [sflag:$0x2], $0x10000, s30, s29, $0x38;
	[tilespmem:$0x10000] =	vst v63  }
0x2b: {  	_ = 	snop  }
0x2c: {  	[hbm4b:s13+s29] =	stream.strided.scatter [tilespmem:s3], [sflag:$0x2], $0x10000, s30, s29, $0x38;
	[tilespmem:$0x10000] =	vst v63  }
0x2d: {  	_ = 	snop  }
0x2e: {  	[hbm4b:s14+s29] =	stream.strided.scatter [tilespmem:s3], [sflag:$0x2], $0x10000, s30, s29, $0x38;
	[tilespmem:$0x10000] =	vst v63  }
0x2f: {  	_ = 	snop  }
0x30: {  	[hbm4b:s15+s29] =	stream.strided.scatter [tilespmem:s3], [sflag:$0x2], $0x10000, s30, s29, $0x38;
	[tilespmem:$0x10000] =	vst v63  }
0x31: {  	_ = 	snop  }
0x32: {  	[hbm4b:s16+s29] =	stream.strided.scatter [tilespmem:s3], [sflag:$0x2], $0x10000, s30, s29, $0x38;
	[tilespmem:$0x10000] =	vst v63  }
0x33: {  	_ = 	snop  }
0x34: {  	[hbm4b:s17+s29] =	stream.strided.scatter [tilespmem:s3], [sflag:$0x2], $0x10000, s30, s29, $0x38;
	[tilespmem:$0x10000] =	vst v63  }
0x35: {  	_ = 	snop  }
0x36: {  	[hbm4b:s18+s29] =	stream.strided.scatter [tilespmem:s3], [sflag:$0x2], $0x10000, s30, s29, $0x38;
	[tilespmem:$0x10000] =	vst v63  }
0x37: {  	_ = 	snop  }
0x38: {  	[hbm4b:s19+s29] =	stream.strided.scatter [tilespmem:s3], [sflag:$0x2], $0x10000, s30, s29, $0x38;
	[tilespmem:$0x10000] =	vst v63  }
0x39: {  	_ = 	snop  }
0x3a: {  	[hbm4b:s20+s29] =	stream.strided.scatter [tilespmem:s3], [sflag:$0x2], $0x10000, s30, s29, $0x38;
	[tilespmem:$0x10000] =	vst v63  }
0x3b: {  	_ = 	snop  }
0x3c: {  	[hbm4b:s21+s29] =	stream.strided.scatter [tilespmem:s3], [sflag:$0x2], $0x10000, s30, s29, $0x38;
	[tilespmem:$0x10000] =	vst v63  }
0x3d: {  	_ = 	snop  }
0x3e: {  	[hbm4b:s22+s29] =	stream.strided.scatter [tilespmem:s3], [sflag:$0x2], $0x10000, s30, s29, $0x38;
	[tilespmem:$0x10000] =	vst v63  }
0x3f: {  	_ = 	snop  }
0x40: {  	[hbm4b:s23+s29] =	stream.strided.scatter [tilespmem:s3], [sflag:$0x2], $0x10000, s30, s29, $0x38;
	[tilespmem:$0x10000] =	vst v63  }
0x41: {  	_ = 	snop  }
0x42: {  	[hbm4b:s24+s29] =	stream.strided.scatter [tilespmem:s3], [sflag:$0x2], $0x10000, s30, s29, $0x38;
	[tilespmem:$0x10000] =	vst v63  }
0x43: {  	_ = 	snop  }
0x44: {  	[hbm4b:s25+s29] =	stream.strided.scatter [tilespmem:s3], [sflag:$0x2], $0x10000, s30, s29, $0x38;
	[tilespmem:$0x10000] =	vst v63  }
0x45: {  	_ = 	snop  }
0x46: {  	[hbm4b:s26+s29] =	stream.strided.scatter [tilespmem:s3], [sflag:$0x2], $0x10000, s30, s29, $0x38;
	[tilespmem:$0x10000] =	vst v63  }
0x47: {  	_ = 	snop  }
0x48: {  	[hbm4b:s28+s29] =	stream.strided.scatter [tilespmem:s3], [sflag:$0x2], $0x10000, s30, s29, $0x38;
	[tilespmem:$0x10000] =	vst v63  }
0x49: {  	_ =	swait.ge [sflag:s2], $0x10000  }
0x4a: {  	[sflag:s2] =	ssyncset.done $0x0  }
0x4b: {  	[sflag:s2] =	ssyncadd.s32 $0xFFFF0000  }
0x4c: {  	_ =	swait.ge [sflag:s2], $0x10000  }
0x4d: {  	[sflag:s2] =	ssyncset.done $0x0  }
0x4e: {  	[sflag:s2] =	ssyncadd.s32 $0xFFFF0000  }
0x4f: {  	_ =	swait.ge [sflag:s2], $0x10000  }
0x50: {  	[sflag:s2] =	ssyncset.done $0x0  }
0x51: {  	[sflag:s2] =	ssyncadd.s32 $0xFFFF0000  }
0x52: {  	_ =	swait.ge [sflag:s2], $0x10000  }
0x53: {  	[sflag:s2] =	ssyncset.done $0x0  }
0x54: {  	[sflag:s2] =	ssyncadd.s32 $0xFFFF0000  }
0x55: {  	_ =	swait.ge [sflag:s2], $0x10000  }
0x56: {  	[sflag:s2] =	ssyncset.done $0x0  }
0x57: {  	[sflag:s2] =	ssyncadd.s32 $0xFFFF0000  }
0x58: {  	_ =	swait.ge [sflag:s2], $0x10000  }
0x59: {  	[sflag:s2] =	ssyncset.done $0x0  }
0x5a: {  	[sflag:s2] =	ssyncadd.s32 $0xFFFF0000  }
0x5b: {  	_ =	swait.ge [sflag:s2], $0x10000  }
0x5c: {  	[sflag:s2] =	ssyncset.done $0x0  }
0x5d: {  	[sflag:s2] =	ssyncadd.s32 $0xFFFF0000  }
0x5e: {  	_ =	swait.ge [sflag:s2], $0x10000  }
0x5f: {  	[sflag:s2] =	ssyncset.done $0x0  }
0x60: {  	[sflag:s2] =	ssyncadd.s32 $0xFFFF0000  }
0x61: {  	_ =	swait.ge [sflag:s2], $0x10000  }
0x62: {  	[sflag:s2] =	ssyncset.done $0x0  }
0x63: {  	[sflag:s2] =	ssyncadd.s32 $0xFFFF0000  }
0x64: {  	_ =	swait.ge [sflag:s2], $0x10000  }
0x65: {  	[sflag:s2] =	ssyncset.done $0x0  }
0x66: {  	[sflag:s2] =	ssyncadd.s32 $0xFFFF0000  }
0x67: {  	_ =	swait.ge [sflag:s2], $0x10000  }
0x68: {  	[sflag:s2] =	ssyncset.done $0x0  }
0x69: {  	[sflag:s2] =	ssyncadd.s32 $0xFFFF0000  }
0x6a: {  	_ =	swait.ge [sflag:s2], $0x10000  }
0x6b: {  	[sflag:s2] =	ssyncset.done $0x0  }
0x6c: {  	[sflag:s2] =	ssyncadd.s32 $0xFFFF0000  }
0x6d: {  	_ =	swait.ge [sflag:s2], $0x10000  }
0x6e: {  	[sflag:s2] =	ssyncset.done $0x0  }
0x6f: {  	[sflag:s2] =	ssyncadd.s32 $0xFFFF0000  }
0x70: {  	_ =	swait.ge [sflag:s2], $0x10000  }
0x71: {  	[sflag:s2] =	ssyncset.done $0x0  }
0x72: {  	[sflag:s2] =	ssyncadd.s32 $0xFFFF0000  }
0x73: {  	_ =	swait.ge [sflag:s2], $0x10000  }
0x74: {  	[sflag:s2] =	ssyncset.done $0x0  }
0x75: {  	[sflag:s2] =	ssyncadd.s32 $0xFFFF0000  }
0x76: {  	_ =	swait.ge [sflag:s2], $0x10000  }
0x77: {  	[sflag:s2] =	ssyncset.done $0x0  }
0x78: {  	[sflag:s2] =	ssyncadd.s32 $0xFFFF0000  }
0x79: {  	_ =	swait.ge [sflag:s2], $0x10000  }
0x7a: {  	[sflag:s2] =	ssyncset.done $0x0  }
0x7b: {  	[sflag:s2] =	ssyncadd.s32 $0xFFFF0000  }
0x7c: {  	_ =	swait.ge [sflag:s2], $0x10000  }
0x7d: {  	[sflag:s2] =	ssyncset.done $0x0  }
0x7e: {  	[sflag:s2] =	ssyncadd.s32 $0xFFFF0000  }
0x7f: {  	_ =	swait.ge [sflag:s2], $0x10000  }
0x80: {  	[sflag:s2] =	ssyncset.done $0x0  }
0x81: {  	[sflag:s2] =	ssyncadd.s32 $0xFFFF0000  }
0x82: {  	_ =	swait.ge [sflag:s2], $0x10000  }
0x83: {  	[sflag:s2] =	ssyncset.done $0x0  }
0x84: {  	[sflag:s2] =	ssyncadd.s32 $0xFFFF0000  }
0x85: {  	_ =	swait.ge [sflag:s2], $0x10000  }
0x86: {  	[sflag:s2] =	ssyncset.done $0x0  }
0x87: {  	[sflag:s2] =	ssyncadd.s32 $0xFFFF0000  }
0x88: {  	_ =	swait.ge [sflag:s2], $0x10000  }
0x89: {  	[sflag:s2] =	ssyncset.done $0x0  }
0x8a: {  	[sflag:s2] =	ssyncadd.s32 $0xFFFF0000  }
0x8b: {  	_ =	swait.ge [sflag:s2], $0x10000  }
0x8c: {  	[sflag:s2] =	ssyncset.done $0x0  }
0x8d: {  	p1 =	sne.s32 s0, $0x1;
	[sflag:s2] =	ssyncadd.s32 $0xFFFF0000  }
.Ltmp1:
0x8e: {  	_ =	swait.ge [sflag:s2], $0x10000;
	(pc) =	sbr.rel @!p1 .LBB2_3-.Ltmp1, $4  }
0x8f: {  	[sflag:s2] =	ssyncset.done $0x0  }
0x90: {  	[sflag:s2] =	ssyncadd.s32 $0xFFFF0000  }
0x91: {  	s0 =	sadd.s32 $0xFFFFFFFF, s0;
	_ =	swait.ge [sflag:s2], $0x10000  }
0x92: {  	p0 =	por $0x1, $0x1;
	s1 =	rddreg [dreg:$0x3];
	[sflag:s2] =	ssyncset.done $0x0  }
.LBB2_2:
0x93: {  	[sflag:s2] =	ssyncadd.s32 $0xFFFF0000  }
0x94: {  	[tilespmem:s3], [sflag:$0x1] =	stream.strided.gather [hbm4b:s1+s29], $0x10000, s30, s29, $0x38;
	[tilespmem:$0x10000] =	vst v63  }
0x95: {  	_ =	swait.ge [sflag:s31], $0x10000  }
0x96: {  	[sflag:s31] =	ssyncset.done $0x0  }
0x97: {  	[sflag:s31] =	ssyncadd.s32 $0xFFFF0000  }
0x98: {  	[hbm4b:s4+s29] =	stream.strided.scatter [tilespmem:s3], [sflag:$0x2], $0x10000, s30, s29, $0x38;
	[tilespmem:$0x10000] =	vst v63  }
0x99: {  	s1 =	rddreg [dreg:$0x4]  }
0x9a: {  	[hbm4b:s1+s29] =	stream.strided.scatter [tilespmem:s3], [sflag:$0x2], $0x10000, s30, s29, $0x38;
	[tilespmem:$0x10000] =	vst v63  }
0x9b: {  	_ = 	snop  }
0x9c: {  	[hbm4b:s5+s29] =	stream.strided.scatter [tilespmem:s3], [sflag:$0x2], $0x10000, s30, s29, $0x38;
	[tilespmem:$0x10000] =	vst v63  }
0x9d: {  	_ = 	snop  }
0x9e: {  	[hbm4b:s6+s29] =	stream.strided.scatter [tilespmem:s3], [sflag:$0x2], $0x10000, s30, s29, $0x38;
	[tilespmem:$0x10000] =	vst v63  }
0x9f: {  	_ = 	snop  }
0xa0: {  	[hbm4b:s7+s29] =	stream.strided.scatter [tilespmem:s3], [sflag:$0x2], $0x10000, s30, s29, $0x38;
	[tilespmem:$0x10000] =	vst v63  }
0xa1: {  	_ = 	snop  }
0xa2: {  	[hbm4b:s8+s29] =	stream.strided.scatter [tilespmem:s3], [sflag:$0x2], $0x10000, s30, s29, $0x38;
	[tilespmem:$0x10000] =	vst v63  }
0xa3: {  	_ = 	snop  }
0xa4: {  	[hbm4b:s9+s29] =	stream.strided.scatter [tilespmem:s3], [sflag:$0x2], $0x10000, s30, s29, $0x38;
	[tilespmem:$0x10000] =	vst v63  }
0xa5: {  	_ = 	snop  }
0xa6: {  	[hbm4b:s10+s29] =	stream.strided.scatter [tilespmem:s3], [sflag:$0x2], $0x10000, s30, s29, $0x38;
	[tilespmem:$0x10000] =	vst v63  }
0xa7: {  	_ = 	snop  }
0xa8: {  	[hbm4b:s11+s29] =	stream.strided.scatter [tilespmem:s3], [sflag:$0x2], $0x10000, s30, s29, $0x38;
	[tilespmem:$0x10000] =	vst v63  }
0xa9: {  	_ = 	snop  }
0xaa: {  	[hbm4b:s12+s29] =	stream.strided.scatter [tilespmem:s3], [sflag:$0x2], $0x10000, s30, s29, $0x38;
	[tilespmem:$0x10000] =	vst v63  }
0xab: {  	_ = 	snop  }
0xac: {  	[hbm4b:s13+s29] =	stream.strided.scatter [tilespmem:s3], [sflag:$0x2], $0x10000, s30, s29, $0x38;
	[tilespmem:$0x10000] =	vst v63  }
0xad: {  	_ = 	snop  }
0xae: {  	[hbm4b:s14+s29] =	stream.strided.scatter [tilespmem:s3], [sflag:$0x2], $0x10000, s30, s29, $0x38;
	[tilespmem:$0x10000] =	vst v63  }
0xaf: {  	_ = 	snop  }
0xb0: {  	[hbm4b:s15+s29] =	stream.strided.scatter [tilespmem:s3], [sflag:$0x2], $0x10000, s30, s29, $0x38;
	[tilespmem:$0x10000] =	vst v63  }
0xb1: {  	_ = 	snop  }
0xb2: {  	[hbm4b:s16+s29] =	stream.strided.scatter [tilespmem:s3], [sflag:$0x2], $0x10000, s30, s29, $0x38;
	[tilespmem:$0x10000] =	vst v63  }
0xb3: {  	_ = 	snop  }
0xb4: {  	[hbm4b:s17+s29] =	stream.strided.scatter [tilespmem:s3], [sflag:$0x2], $0x10000, s30, s29, $0x38;
	[tilespmem:$0x10000] =	vst v63  }
0xb5: {  	_ = 	snop  }
0xb6: {  	[hbm4b:s18+s29] =	stream.strided.scatter [tilespmem:s3], [sflag:$0x2], $0x10000, s30, s29, $0x38;
	[tilespmem:$0x10000] =	vst v63  }
0xb7: {  	_ = 	snop  }
0xb8: {  	[hbm4b:s19+s29] =	stream.strided.scatter [tilespmem:s3], [sflag:$0x2], $0x10000, s30, s29, $0x38;
	[tilespmem:$0x10000] =	vst v63  }
0xb9: {  	_ = 	snop  }
0xba: {  	[hbm4b:s20+s29] =	stream.strided.scatter [tilespmem:s3], [sflag:$0x2], $0x10000, s30, s29, $0x38;
	[tilespmem:$0x10000] =	vst v63  }
0xbb: {  	_ = 	snop  }
0xbc: {  	[hbm4b:s21+s29] =	stream.strided.scatter [tilespmem:s3], [sflag:$0x2], $0x10000, s30, s29, $0x38;
	[tilespmem:$0x10000] =	vst v63  }
0xbd: {  	_ = 	snop  }
0xbe: {  	[hbm4b:s22+s29] =	stream.strided.scatter [tilespmem:s3], [sflag:$0x2], $0x10000, s30, s29, $0x38;
	[tilespmem:$0x10000] =	vst v63  }
0xbf: {  	_ = 	snop  }
0xc0: {  	[hbm4b:s23+s29] =	stream.strided.scatter [tilespmem:s3], [sflag:$0x2], $0x10000, s30, s29, $0x38;
	[tilespmem:$0x10000] =	vst v63  }
0xc1: {  	_ = 	snop  }
0xc2: {  	[hbm4b:s24+s29] =	stream.strided.scatter [tilespmem:s3], [sflag:$0x2], $0x10000, s30, s29, $0x38;
	[tilespmem:$0x10000] =	vst v63  }
0xc3: {  	_ = 	snop  }
0xc4: {  	[hbm4b:s25+s29] =	stream.strided.scatter [tilespmem:s3], [sflag:$0x2], $0x10000, s30, s29, $0x38;
	[tilespmem:$0x10000] =	vst v63  }
0xc5: {  	_ = 	snop  }
0xc6: {  	[hbm4b:s26+s29] =	stream.strided.scatter [tilespmem:s3], [sflag:$0x2], $0x10000, s30, s29, $0x38;
	[tilespmem:$0x10000] =	vst v63  }
0xc7: {  	_ = 	snop  }
0xc8: {  	[hbm4b:s28+s29] =	stream.strided.scatter [tilespmem:s3], [sflag:$0x2], $0x10000, s30, s29, $0x38;
	[tilespmem:$0x10000] =	vst v63  }
0xc9: {  	_ =	swait.ge [sflag:s2], $0x10000  }
0xca: {  	[sflag:s2] =	ssyncset.done $0x0  }
0xcb: {  	[sflag:s2] =	ssyncadd.s32 $0xFFFF0000  }
0xcc: {  	_ =	swait.ge [sflag:s2], $0x10000  }
0xcd: {  	[sflag:s2] =	ssyncset.done $0x0  }
0xce: {  	[sflag:s2] =	ssyncadd.s32 $0xFFFF0000  }
0xcf: {  	_ =	swait.ge [sflag:s2], $0x10000  }
0xd0: {  	[sflag:s2] =	ssyncset.done $0x0  }
0xd1: {  	[sflag:s2] =	ssyncadd.s32 $0xFFFF0000  }
0xd2: {  	_ =	swait.ge [sflag:s2], $0x10000  }
0xd3: {  	[sflag:s2] =	ssyncset.done $0x0  }
0xd4: {  	[sflag:s2] =	ssyncadd.s32 $0xFFFF0000  }
0xd5: {  	_ =	swait.ge [sflag:s2], $0x10000  }
0xd6: {  	[sflag:s2] =	ssyncset.done $0x0  }
0xd7: {  	[sflag:s2] =	ssyncadd.s32 $0xFFFF0000  }
0xd8: {  	_ =	swait.ge [sflag:s2], $0x10000  }
0xd9: {  	[sflag:s2] =	ssyncset.done $0x0  }
0xda: {  	[sflag:s2] =	ssyncadd.s32 $0xFFFF0000  }
0xdb: {  	_ =	swait.ge [sflag:s2], $0x10000  }
0xdc: {  	[sflag:s2] =	ssyncset.done $0x0  }
0xdd: {  	[sflag:s2] =	ssyncadd.s32 $0xFFFF0000  }
0xde: {  	_ =	swait.ge [sflag:s2], $0x10000  }
0xdf: {  	[sflag:s2] =	ssyncset.done $0x0  }
0xe0: {  	[sflag:s2] =	ssyncadd.s32 $0xFFFF0000  }
0xe1: {  	_ =	swait.ge [sflag:s2], $0x10000  }
0xe2: {  	[sflag:s2] =	ssyncset.done $0x0  }
0xe3: {  	[sflag:s2] =	ssyncadd.s32 $0xFFFF0000  }
0xe4: {  	_ =	swait.ge [sflag:s2], $0x10000  }
0xe5: {  	[sflag:s2] =	ssyncset.done $0x0  }
0xe6: {  	[sflag:s2] =	ssyncadd.s32 $0xFFFF0000  }
0xe7: {  	_ =	swait.ge [sflag:s2], $0x10000  }
0xe8: {  	[sflag:s2] =	ssyncset.done $0x0  }
0xe9: {  	[sflag:s2] =	ssyncadd.s32 $0xFFFF0000  }
0xea: {  	_ =	swait.ge [sflag:s2], $0x10000  }
0xeb: {  	[sflag:s2] =	ssyncset.done $0x0  }
0xec: {  	[sflag:s2] =	ssyncadd.s32 $0xFFFF0000  }
0xed: {  	_ =	swait.ge [sflag:s2], $0x10000  }
0xee: {  	[sflag:s2] =	ssyncset.done $0x0  }
0xef: {  	[sflag:s2] =	ssyncadd.s32 $0xFFFF0000  }
0xf0: {  	_ =	swait.ge [sflag:s2], $0x10000  }
0xf1: {  	[sflag:s2] =	ssyncset.done $0x0  }
0xf2: {  	[sflag:s2] =	ssyncadd.s32 $0xFFFF0000  }
0xf3: {  	_ =	swait.ge [sflag:s2], $0x10000  }
0xf4: {  	[sflag:s2] =	ssyncset.done $0x0  }
0xf5: {  	[sflag:s2] =	ssyncadd.s32 $0xFFFF0000  }
0xf6: {  	_ =	swait.ge [sflag:s2], $0x10000  }
0xf7: {  	[sflag:s2] =	ssyncset.done $0x0  }
0xf8: {  	[sflag:s2] =	ssyncadd.s32 $0xFFFF0000  }
0xf9: {  	_ =	swait.ge [sflag:s2], $0x10000  }
0xfa: {  	[sflag:s2] =	ssyncset.done $0x0  }
0xfb: {  	[sflag:s2] =	ssyncadd.s32 $0xFFFF0000  }
0xfc: {  	_ =	swait.ge [sflag:s2], $0x10000  }
0xfd: {  	[sflag:s2] =	ssyncset.done $0x0  }
0xfe: {  	[sflag:s2] =	ssyncadd.s32 $0xFFFF0000  }
0xff: {  	_ =	swait.ge [sflag:s2], $0x10000  }
0x100: {  	[sflag:s2] =	ssyncset.done $0x0  }
0x101: {  	[sflag:s2] =	ssyncadd.s32 $0xFFFF0000  }
0x102: {  	_ =	swait.ge [sflag:s2], $0x10000  }
0x103: {  	[sflag:s2] =	ssyncset.done $0x0  }
0x104: {  	[sflag:s2] =	ssyncadd.s32 $0xFFFF0000  }
0x105: {  	_ =	swait.ge [sflag:s2], $0x10000  }
0x106: {  	[sflag:s2] =	ssyncset.done $0x0  }
0x107: {  	[sflag:s2] =	ssyncadd.s32 $0xFFFF0000  }
0x108: {  	_ =	swait.ge [sflag:s2], $0x10000  }
0x109: {  	[sflag:s2] =	ssyncset.done $0x0  }
0x10a: {  	[sflag:s2] =	ssyncadd.s32 $0xFFFF0000  }
0x10b: {  	_ =	swait.ge [sflag:s2], $0x10000  }
0x10c: {  	[sflag:s2] =	ssyncset.done $0x0  }
0x10d: {  	p1 =	sne.s32 s0, $0x1;
	[sflag:s2] =	ssyncadd.s32 $0xFFFF0000  }
.Ltmp2:
0x10e: {  	_ =	swait.ge [sflag:s2], $0x10000;
	(pc) =	sbr.rel @p1 .LBB2_2-.Ltmp2, $4  }
0x10f: {  	[sflag:s2] =	ssyncset.done $0x0  }
0x110: {  	[sflag:s2] =	ssyncadd.s32 $0xFFFF0000  }
0x111: {  	_ =	swait.ge [sflag:s2], $0x10000  }
0x112: {  	s0 =	sadd.s32 $0xFFFFFFFF, s0;
	s1 =	rddreg [dreg:$0x3];
	[sflag:s2] =	ssyncset.done $0x0  }
.LBB2_3:
0x113: {  	[sflag:s2] =	ssyncadd.s32 @p0 $0xFFFF0000  }
0x114: {  	[tilespmem:s3], [sflag:$0x1] =	stream.strided.gather [hbm4b:s1+s29], $0x10000, s30, s29, $0x38;
	[tilespmem:$0x10000] =	vst v63  }
0x115: {  	_ =	swait.ge [sflag:s31], $0x10000  }
0x116: {  	[sflag:s31] =	ssyncset.done $0x0  }
0x117: {  	[sflag:s31] =	ssyncadd.s32 $0xFFFF0000  }
0x118: {  	[hbm4b:s4+s29] =	stream.strided.scatter [tilespmem:s3], [sflag:$0x2], $0x10000, s30, s29, $0x38;
	[tilespmem:$0x10000] =	vst v63  }
0x119: {  	s0 =	rddreg [dreg:$0x4]  }
0x11a: {  	[hbm4b:s0+s29] =	stream.strided.scatter [tilespmem:s3], [sflag:$0x2], $0x10000, s30, s29, $0x38;
	[tilespmem:$0x10000] =	vst v63  }
0x11b: {  	_ = 	snop  }
0x11c: {  	[hbm4b:s5+s29] =	stream.strided.scatter [tilespmem:s3], [sflag:$0x2], $0x10000, s30, s29, $0x38;
	[tilespmem:$0x10000] =	vst v63  }
0x11d: {  	_ = 	snop  }
0x11e: {  	[hbm4b:s6+s29] =	stream.strided.scatter [tilespmem:s3], [sflag:$0x2], $0x10000, s30, s29, $0x38;
	[tilespmem:$0x10000] =	vst v63  }
0x11f: {  	_ = 	snop  }
0x120: {  	[hbm4b:s7+s29] =	stream.strided.scatter [tilespmem:s3], [sflag:$0x2], $0x10000, s30, s29, $0x38;
	[tilespmem:$0x10000] =	vst v63  }
0x121: {  	_ = 	snop  }
0x122: {  	[hbm4b:s8+s29] =	stream.strided.scatter [tilespmem:s3], [sflag:$0x2], $0x10000, s30, s29, $0x38;
	[tilespmem:$0x10000] =	vst v63  }
0x123: {  	_ = 	snop  }
0x124: {  	[hbm4b:s9+s29] =	stream.strided.scatter [tilespmem:s3], [sflag:$0x2], $0x10000, s30, s29, $0x38;
	[tilespmem:$0x10000] =	vst v63  }
0x125: {  	_ = 	snop  }
0x126: {  	[hbm4b:s10+s29] =	stream.strided.scatter [tilespmem:s3], [sflag:$0x2], $0x10000, s30, s29, $0x38;
	[tilespmem:$0x10000] =	vst v63  }
0x127: {  	_ = 	snop  }
0x128: {  	[hbm4b:s11+s29] =	stream.strided.scatter [tilespmem:s3], [sflag:$0x2], $0x10000, s30, s29, $0x38;
	[tilespmem:$0x10000] =	vst v63  }
0x129: {  	_ = 	snop  }
0x12a: {  	[hbm4b:s12+s29] =	stream.strided.scatter [tilespmem:s3], [sflag:$0x2], $0x10000, s30, s29, $0x38;
	[tilespmem:$0x10000] =	vst v63  }
0x12b: {  	_ = 	snop  }
0x12c: {  	[hbm4b:s13+s29] =	stream.strided.scatter [tilespmem:s3], [sflag:$0x2], $0x10000, s30, s29, $0x38;
	[tilespmem:$0x10000] =	vst v63  }
0x12d: {  	_ = 	snop  }
0x12e: {  	[hbm4b:s14+s29] =	stream.strided.scatter [tilespmem:s3], [sflag:$0x2], $0x10000, s30, s29, $0x38;
	[tilespmem:$0x10000] =	vst v63  }
0x12f: {  	_ = 	snop  }
0x130: {  	[hbm4b:s15+s29] =	stream.strided.scatter [tilespmem:s3], [sflag:$0x2], $0x10000, s30, s29, $0x38;
	[tilespmem:$0x10000] =	vst v63  }
0x131: {  	_ = 	snop  }
0x132: {  	[hbm4b:s16+s29] =	stream.strided.scatter [tilespmem:s3], [sflag:$0x2], $0x10000, s30, s29, $0x38;
	[tilespmem:$0x10000] =	vst v63  }
0x133: {  	_ = 	snop  }
0x134: {  	[hbm4b:s17+s29] =	stream.strided.scatter [tilespmem:s3], [sflag:$0x2], $0x10000, s30, s29, $0x38;
	[tilespmem:$0x10000] =	vst v63  }
0x135: {  	_ = 	snop  }
0x136: {  	[hbm4b:s18+s29] =	stream.strided.scatter [tilespmem:s3], [sflag:$0x2], $0x10000, s30, s29, $0x38;
	[tilespmem:$0x10000] =	vst v63  }
0x137: {  	_ = 	snop  }
0x138: {  	[hbm4b:s19+s29] =	stream.strided.scatter [tilespmem:s3], [sflag:$0x2], $0x10000, s30, s29, $0x38;
	[tilespmem:$0x10000] =	vst v63  }
0x139: {  	_ = 	snop  }
0x13a: {  	[hbm4b:s20+s29] =	stream.strided.scatter [tilespmem:s3], [sflag:$0x2], $0x10000, s30, s29, $0x38;
	[tilespmem:$0x10000] =	vst v63  }
0x13b: {  	_ = 	snop  }
0x13c: {  	[hbm4b:s21+s29] =	stream.strided.scatter [tilespmem:s3], [sflag:$0x2], $0x10000, s30, s29, $0x38;
	[tilespmem:$0x10000] =	vst v63  }
0x13d: {  	_ = 	snop  }
0x13e: {  	[hbm4b:s22+s29] =	stream.strided.scatter [tilespmem:s3], [sflag:$0x2], $0x10000, s30, s29, $0x38;
	[tilespmem:$0x10000] =	vst v63  }
0x13f: {  	_ = 	snop  }
0x140: {  	[hbm4b:s23+s29] =	stream.strided.scatter [tilespmem:s3], [sflag:$0x2], $0x10000, s30, s29, $0x38;
	[tilespmem:$0x10000] =	vst v63  }
0x141: {  	_ = 	snop  }
0x142: {  	[hbm4b:s24+s29] =	stream.strided.scatter [tilespmem:s3], [sflag:$0x2], $0x10000, s30, s29, $0x38;
	[tilespmem:$0x10000] =	vst v63  }
0x143: {  	_ = 	snop  }
0x144: {  	[hbm4b:s25+s29] =	stream.strided.scatter [tilespmem:s3], [sflag:$0x2], $0x10000, s30, s29, $0x38;
	[tilespmem:$0x10000] =	vst v63  }
0x145: {  	_ = 	snop  }
0x146: {  	[hbm4b:s26+s29] =	stream.strided.scatter [tilespmem:s3], [sflag:$0x2], $0x10000, s30, s29, $0x38;
	[tilespmem:$0x10000] =	vst v63  }
0x147: {  	_ = 	snop  }
0x148: {  	[hbm4b:s28+s29] =	stream.strided.scatter [tilespmem:s3], [sflag:$0x2], $0x10000, s30, s29, $0x38;
	[tilespmem:$0x10000] =	vst v63  }
0x149: {  	_ =	swait.ge [sflag:s2], $0x10000  }
0x14a: {  	[sflag:s2] =	ssyncset.done $0x0  }
0x14b: {  	[sflag:s2] =	ssyncadd.s32 $0xFFFF0000  }
0x14c: {  	_ =	swait.ge [sflag:s2], $0x10000  }
0x14d: {  	[sflag:s2] =	ssyncset.done $0x0  }
0x14e: {  	[sflag:s2] =	ssyncadd.s32 $0xFFFF0000  }
0x14f: {  	_ =	swait.ge [sflag:s2], $0x10000  }
0x150: {  	[sflag:s2] =	ssyncset.done $0x0  }
0x151: {  	[sflag:s2] =	ssyncadd.s32 $0xFFFF0000  }
0x152: {  	_ =	swait.ge [sflag:s2], $0x10000  }
0x153: {  	[sflag:s2] =	ssyncset.done $0x0  }
0x154: {  	[sflag:s2] =	ssyncadd.s32 $0xFFFF0000  }
0x155: {  	_ =	swait.ge [sflag:s2], $0x10000  }
0x156: {  	[sflag:s2] =	ssyncset.done $0x0  }
0x157: {  	[sflag:s2] =	ssyncadd.s32 $0xFFFF0000  }
0x158: {  	_ =	swait.ge [sflag:s2], $0x10000  }
0x159: {  	[sflag:s2] =	ssyncset.done $0x0  }
0x15a: {  	[sflag:s2] =	ssyncadd.s32 $0xFFFF0000  }
0x15b: {  	_ =	swait.ge [sflag:s2], $0x10000  }
0x15c: {  	[sflag:s2] =	ssyncset.done $0x0  }
0x15d: {  	[sflag:s2] =	ssyncadd.s32 $0xFFFF0000  }
0x15e: {  	_ =	swait.ge [sflag:s2], $0x10000  }
0x15f: {  	[sflag:s2] =	ssyncset.done $0x0  }
0x160: {  	[sflag:s2] =	ssyncadd.s32 $0xFFFF0000  }
0x161: {  	_ =	swait.ge [sflag:s2], $0x10000  }
0x162: {  	[sflag:s2] =	ssyncset.done $0x0  }
0x163: {  	[sflag:s2] =	ssyncadd.s32 $0xFFFF0000  }
0x164: {  	_ =	swait.ge [sflag:s2], $0x10000  }
0x165: {  	[sflag:s2] =	ssyncset.done $0x0  }
0x166: {  	[sflag:s2] =	ssyncadd.s32 $0xFFFF0000  }
0x167: {  	_ =	swait.ge [sflag:s2], $0x10000  }
0x168: {  	[sflag:s2] =	ssyncset.done $0x0  }
0x169: {  	[sflag:s2] =	ssyncadd.s32 $0xFFFF0000  }
0x16a: {  	_ =	swait.ge [sflag:s2], $0x10000  }
0x16b: {  	[sflag:s2] =	ssyncset.done $0x0  }
0x16c: {  	[sflag:s2] =	ssyncadd.s32 $0xFFFF0000  }
0x16d: {  	_ =	swait.ge [sflag:s2], $0x10000  }
0x16e: {  	[sflag:s2] =	ssyncset.done $0x0  }
0x16f: {  	[sflag:s2] =	ssyncadd.s32 $0xFFFF0000  }
0x170: {  	_ =	swait.ge [sflag:s2], $0x10000  }
0x171: {  	[sflag:s2] =	ssyncset.done $0x0  }
0x172: {  	[sflag:s2] =	ssyncadd.s32 $0xFFFF0000  }
0x173: {  	_ =	swait.ge [sflag:s2], $0x10000  }
0x174: {  	[sflag:s2] =	ssyncset.done $0x0  }
0x175: {  	[sflag:s2] =	ssyncadd.s32 $0xFFFF0000  }
0x176: {  	_ =	swait.ge [sflag:s2], $0x10000  }
0x177: {  	[sflag:s2] =	ssyncset.done $0x0  }
0x178: {  	[sflag:s2] =	ssyncadd.s32 $0xFFFF0000  }
0x179: {  	_ =	swait.ge [sflag:s2], $0x10000  }
0x17a: {  	[sflag:s2] =	ssyncset.done $0x0  }
0x17b: {  	[sflag:s2] =	ssyncadd.s32 $0xFFFF0000  }
0x17c: {  	_ =	swait.ge [sflag:s2], $0x10000  }
0x17d: {  	[sflag:s2] =	ssyncset.done $0x0  }
0x17e: {  	[sflag:s2] =	ssyncadd.s32 $0xFFFF0000  }
0x17f: {  	_ =	swait.ge [sflag:s2], $0x10000  }
0x180: {  	[sflag:s2] =	ssyncset.done $0x0  }
0x181: {  	[sflag:s2] =	ssyncadd.s32 $0xFFFF0000  }
0x182: {  	_ =	swait.ge [sflag:s2], $0x10000  }
0x183: {  	[sflag:s2] =	ssyncset.done $0x0  }
0x184: {  	[sflag:s2] =	ssyncadd.s32 $0xFFFF0000  }
0x185: {  	_ =	swait.ge [sflag:s2], $0x10000  }
0x186: {  	[sflag:s2] =	ssyncset.done $0x0  }
0x187: {  	[sflag:s2] =	ssyncadd.s32 $0xFFFF0000  }
0x188: {  	_ =	swait.ge [sflag:s2], $0x10000  }
0x189: {  	[sflag:s2] =	ssyncset.done $0x0  }
0x18a: {  	[sflag:s2] =	ssyncadd.s32 $0xFFFF0000  }
0x18b: {  	_ =	swait.ge [sflag:s2], $0x10000  }
0x18c: {  	[sflag:s2] =	ssyncset.done $0x0  }
0x18d: {  	[sflag:s2] =	ssyncadd.s32 $0xFFFF0000  }
0x18e: {  	_ =	swait.ge [sflag:s2], $0x10000  }
0x18f: {  	[sflag:s2] =	ssyncset.done $0x0  }
0x190: {  	[sflag:s2] =	ssyncadd.s32 $0xFFFF0000  }
0x191: {  	_ =	swait.ge [sflag:s2], $0x10000  }
0x192: {  	[sflag:s2] =	ssyncset.done $0x0  }
0x193: {  	[sflag:s2] =	ssyncadd.s32 $0xFFFF0000  }
0x194: {  	_ =	sfence.sel $0x180000  }
0x195: {  	[bflag:$0x0] =	sbarrier.arrive $0xFFFF  }
0x196: {  	_ =	strace $0x90000047  }
0x197: {  	s31 =	stileid.u32;
	[bflag:$0x2] =	sbarrier.arrive $0xFFFF  }
0x198: {  	p0 =	sne.s32 s31, $0x0;
	s0 =	rddreg [dreg:$0x2]  }
0x199: {  	s0 =	sadd.s32 @!p0 $0x100000, s0  }
0x19a: {  	[sflag:s0] =	ssyncadd.tile.s32 @!p0 $0x1;
	_ =	shalt  }
.Lfunc_end2:
_tile_overlayer_lowered:
.L_overlay_start_2:
0x19b: {  	(tag) =	ssettag $0x2  }
0x19c: {  	s0 =	rddreg [dreg:$0x0];
	s2 =	stileid.u32  }
0x19d: {  	s1 =	rddreg [dreg:$0x1];
	p0 =	sne.s32 s2, $0x0  }
0x19e: {  	s3 =	rddreg [dreg:$0x2];
	[bflag:$0x3] =	sbarrier.arrive $0xFFFF;
	s2 =	simm.s32 @!p0 $0x1C03  }
0x19f: {  	[timem:s3], [sflag:s2] =	dma.local @!p0 [hbm:s0], s1  }
0x1a0: {  	s0 =	simm.s32 @!p0 $0x3  }
0x1a1: {  	_ =	swait.ge @!p0 [sflag:s0], s1  }
0x1a2: {  	s1 =	ssub.s32 @!p0 $0x0, s1;
	[sflag:s0] =	ssyncset.done @!p0 $0x0  }
0x1a3: {  	[sflag:s0] =	ssyncadd.s32 @!p0 s1  }
0x1a4: {  	[bflag:$0x3] =	sbarrier.arrive $0xFFFF  }
0x1a5: {  	_ =	shalt  }

</sc_bundles>
